<compile_context>
chip_gen: v7x
topology: tpu7x:2x2x1
jax: 0.10.2.dev20260603
libtpu: 0.0.44.dev20260713+nightly
codegen_flags: <defaults>
</compile_context>

<pallas_src>
import functools

import jax
import jax.numpy as jnp
import numpy as np
from jax import lax
from jax.experimental import pallas as pl
from jax.experimental.pallas import tpu as pltpu
from jax.experimental.pallas import tpu_sc as plsc

NUM_EMB = 1000000
D = 64
DP = 128
P_DROP = 0.1
NT = 16384
NH = 50

NC = 2
NS = 16
L = 16
NW = NC * NS
I_PER_W = NT // NW
CI = 128
CIS = CI + 1
NCH_I = I_PER_W // CI
N_CHUNKS = NH * NCH_I

BITS_WORDS = 31264
INV_KEEP = float(np.float32(1.0) / np.float32(1.0 - P_DROP))


@functools.partial(
    pl.kernel,
    mesh=plsc.VectorSubcoreMesh(core_axis_name="c", subcore_axis_name="s"),
    out_type=jax.ShapeDtypeStruct((NH, D, NT), jnp.float32),
    compiler_params=pltpu.CompilerParams(needs_layout_passes=False),
    scratch_types=[
        pltpu.VMEM((BITS_WORDS,), jnp.int32),
        pltpu.VMEM((CI,), jnp.int32),
        pltpu.VMEM((CI,), jnp.int32),
        pltpu.VMEM((CI, DP), jnp.float32),
        pltpu.VMEM((CI, DP), jnp.float32),
        pltpu.VMEM((D, CIS), jnp.float32),
        pltpu.VMEM((D, CIS), jnp.float32),
        pltpu.VMEM((CI,), jnp.int32),
        pltpu.VMEM((CI,), jnp.int32),
        pltpu.SemaphoreType.DMA,
        pltpu.SemaphoreType.DMA,
        pltpu.SemaphoreType.DMA,
        pltpu.SemaphoreType.DMA,
    ],
)
def _emb_dropout_gather(tview_hbm, idx_hbm, bits_hbm, out_hbm,
                        bits_v, idx_a, idx_b, rows_a, rows_b,
                        outb_a, outb_b, cb_a, cb_b,
                        sem0, sem1, osem0, osem1):
    wid = lax.axis_index("s") * NC + lax.axis_index("c")
    i_base = wid * I_PER_W
    pltpu.sync_copy(bits_hbm, bits_v)

    bufs = ((idx_a, rows_a, outb_a, cb_a, sem0, osem0),
            (idx_b, rows_b, outb_b, cb_b, sem1, osem1))
    iota = lax.iota(jnp.int32, L)

    def chunk_coords(t):
        j = t // NCH_I
        i0 = i_base + (t % NCH_I) * CI
        return j, i0

    def issue(t, buf):
        idx_v, rows_v, _, cb_v, sem, _ = bufs[buf]
        j, i0 = chunk_coords(t)
        pltpu.sync_copy(idx_hbm.at[j, pl.ds(i0, CI)], idx_v)

        @plsc.parallel_loop(0, CI // L, unroll=4)
        def scale_body(g):
            idx16 = idx_v[pl.ds(g * L, L)]
            word = plsc.load_gather(bits_v, [lax.shift_right_logical(idx16, 5)])
            bit = lax.bitwise_and(
                lax.shift_right_logical(word, lax.bitwise_and(idx16, 31)), 1)
            cb_v[pl.ds(g * L, L)] = (
                lax.bitwise_and(idx16, 1) * D + bit * 256)
            idx_v[pl.ds(g * L, L)] = lax.shift_right_logical(idx16, 1)

        pltpu.async_copy(tview_hbm.at[idx_v], rows_v, sem)

    def wait(buf):
        idx_v, rows_v, _, _, sem, _ = bufs[buf]
        pltpu.make_async_copy(tview_hbm.at[idx_v], rows_v, sem).wait()

    def out_copy(t, buf, start):
        _, _, outb_v, _, _, osem = bufs[buf]
        j, i0 = chunk_coords(t)
        cp = pltpu.make_async_copy(outb_v.at[:, pl.ds(0, CI)],
                                   out_hbm.at[j, :, pl.ds(i0, CI)], osem)
        cp.start() if start else cp.wait()

    def process(t, buf):
        _, rows_v, outb_v, cb_v, _, _ = bufs[buf]

        @pl.when(t >= 2)
        def _():
            out_copy(t - 2, buf, start=False)

        @plsc.parallel_loop(0, CI, unroll=8)
        def row_body(p):
            pvec = jnp.zeros((L,), jnp.int32) + p
            pw = plsc.load_gather(cb_v, [pvec])
            s16 = (lax.shift_right_logical(pw, 8).astype(jnp.float32)
                   * INV_KEEP)
            cbase16 = lax.bitwise_and(pw, 255)
            for cb in range(D // L):
                v = plsc.load_gather(rows_v, [pvec, cbase16 + (cb * L) + iota])
                plsc.store_scatter(outb_v, [cb * L + iota, pvec], v * s16)

        out_copy(t, buf, start=True)

    issue(0, 0)

    def pair_body(p, carry):
        t0 = 2 * p
        issue(t0 + 1, 1)
        wait(0)
        process(t0, 0)

        @pl.when(p + 1 < N_CHUNKS // 2)
        def _():
            issue(t0 + 2, 0)

        wait(1)
        process(t0 + 1, 1)
        return carry

    lax.fori_loop(0, N_CHUNKS // 2, pair_body, 0)
    out_copy(N_CHUNKS - 2, 0, start=False)
    out_copy(N_CHUNKS - 1, 1, start=False)


def _pack_keep_bits():
    keep = jax.random.bernoulli(
        jax.random.key(42), 1.0 - P_DROP, (NUM_EMB, 1))
    kb = keep[:, 0]
    kb = jnp.pad(kb, (0, BITS_WORDS * 32 - NUM_EMB))
    kw = kb.reshape(BITS_WORDS, 32).astype(jnp.uint32)
    shifts = jnp.arange(32, dtype=jnp.uint32)[None, :]
    words_u = jnp.sum(kw << shifts, axis=1, dtype=jnp.uint32)
    return lax.bitcast_convert_type(words_u, jnp.int32)


def kernel(words, table):
    bits = _pack_keep_bits()
    tview = table.reshape(NUM_EMB // 2, DP)
    wt = words.T
    out_k = _emb_dropout_gather(tview, wt, bits)
    return out_k.transpose(2, 0, 1)

# --- scband reference (transcript-rebuilt; emitter-appended) ---
"""Pipeline reference for scband-embedding-dropout-35227321761838 (READ-ONLY COPY).

The authoritative reference and input builder live on the scoring server;
editing this copy changes nothing except your own understanding.
"""

import jax, jax.numpy as jnp
import numpy as np

NUM_EMBEDDINGS = 1000000
EMBED_DIM = 64
EMBED_PROB = 0.1
BATCH = 16384
HIST = 50


def setup_inputs(seed: int = 0) -> dict:
    key = jax.random.key(seed)
    k_idx, k_tab = jax.random.split(key)
    words = jax.random.randint(k_idx, (BATCH, HIST), 0, NUM_EMBEDDINGS, dtype=jnp.int32)
    table = jax.random.normal(k_tab, (NUM_EMBEDDINGS, EMBED_DIM), dtype=jnp.float32) * 0.02
    return {"words": words, "table": table}


def reference(words, table):
    # EmbeddingDropout (training mode): drop full rows of the embedding
    # matrix with prob EMBED_PROB, rescale kept rows by 1/(1-p), then gather.
    mask_key = jax.random.key(42)
    keep = jax.random.bernoulli(mask_key, 1.0 - EMBED_PROB, (table.shape[0], 1)).astype(table.dtype)
    mask = keep / (1.0 - EMBED_PROB)
    masked_embedding = table * mask
    # F.embedding with padding_idx=-1 (no real pad row) is a plain row gather.
    out = jnp.take(masked_embedding, words, axis=0)
    return out

if __name__ == "__main__":
    import jax
    _d = setup_inputs()
    print(jax.jit(kernel)(*tuple(_d.values())))

</pallas_src>

<mosaic_0001>
#map = affine_map<(d0, d1) -> (0, 0)>
#map1 = affine_map<(d0, d1) -> (0)>
#map2 = affine_map<(d0, d1) -> (0, 0, 0)>
module attributes {stable_mosaic.version = 14 : i64} {
  func.func @_emb_dropout_gather(%arg0: i32, %arg1: i32, %arg2: memref<500000x128xf32, #tpu.memory_space<hbm>>, %arg3: memref<50x16384xi32, #tpu.memory_space<hbm>>, %arg4: memref<31264xi32, #tpu.memory_space<hbm>>, %arg5: memref<50x64x16384xf32, #tpu.memory_space<hbm>>, %arg6: memref<31264xi32, #tpu.memory_space<vmem>>, %arg7: memref<128xi32, #tpu.memory_space<vmem>>, %arg8: memref<128xi32, #tpu.memory_space<vmem>>, %arg9: memref<128x128xf32, #tpu.memory_space<vmem>>, %arg10: memref<128x128xf32, #tpu.memory_space<vmem>>, %arg11: memref<64x129xf32, #tpu.memory_space<vmem>>, %arg12: memref<64x129xf32, #tpu.memory_space<vmem>>, %arg13: memref<128xi32, #tpu.memory_space<vmem>>, %arg14: memref<128xi32, #tpu.memory_space<vmem>>, %arg15: memref<!tpu.dma_semaphore, #tpu.memory_space<semaphore_mem>>, %arg16: memref<!tpu.dma_semaphore, #tpu.memory_space<semaphore_mem>>, %arg17: memref<!tpu.dma_semaphore, #tpu.memory_space<semaphore_mem>>, %arg18: memref<!tpu.dma_semaphore, #tpu.memory_space<semaphore_mem>>) attributes {dimension_semantics = [#tpu.dimension_semantics<core_parallel>, #tpu.dimension_semantics<subcore_parallel>], iteration_bounds = array<i64: 2, 16>, scalar_prefetch = 0 : i64, scratch_operands = 13 : i64, tpu.core_type = #tpu.core_type<sc_vector_subcore>, window_params = [{transform_indices = #map}, {transform_indices = #map}, {transform_indices = #map1}, {transform_indices = #map2}]} {
    %mul3A = arith.constant 2 : i32
    %mul3A_0 = arith.muli %arg1, %mul3A : i32
    %add3A = arith.addi %mul3A_0, %arg0 : i32
    %mul3A_1 = arith.constant 512 : i32
    %mul3A_2 = arith.muli %add3A, %mul3A_1 : i32
    "tpu.region"() ({
      %run_scoped3A_43 = tpu.sem_alloc : memref<!tpu.dma_semaphore, #tpu.memory_space<semaphore_mem>>
      tpu.enqueue_dma source(%arg4 : memref<31264xi32, #tpu.memory_space<hbm>>) target(%arg6 : memref<31264xi32, #tpu.memory_space<vmem>>) target_semaphore(%run_scoped3A_43 : memref<!tpu.dma_semaphore, #tpu.memory_space<semaphore_mem>>)
      tpu.wait_dma2 semaphore(%run_scoped3A_43 : memref<!tpu.dma_semaphore, #tpu.memory_space<semaphore_mem>>) src(%arg4 : memref<31264xi32, #tpu.memory_space<hbm>>) dst(%arg6 : memref<31264xi32, #tpu.memory_space<vmem>>)
      tpu.yield
    }) : () -> ()
    %iota3A = tpu.iota {dimensions = array<i32: 0>} : vector<16xi32>
    %add3A_3 = arith.constant 0 : i32
    %add3A_4 = arith.addi %mul3A_2, %add3A_3 : i32
    %run_scoped3A = arith.constant 0 : i32
    "tpu.region"() ({
      %run_scoped3A_43 = tpu.sem_alloc : memref<!tpu.dma_semaphore, #tpu.memory_space<semaphore_mem>>
      %dma_start3A_44 = tpu.memref_slice %arg3[%run_scoped3A, %add3A_4] : memref<50x16384xi32, #tpu.memory_space<hbm>> -> memref<1x128xi32, #tpu.memory_space<hbm>>
      %dma_start3A_45 = tpu.memref_squeeze %dma_start3A_44 : memref<1x128xi32, #tpu.memory_space<hbm>> -> memref<128xi32, #tpu.memory_space<hbm>>
      %dma_start3A_46 = tpu.memref_slice %arg3[%run_scoped3A, %add3A_4] : memref<50x16384xi32, #tpu.memory_space<hbm>> -> memref<1x128xi32, #tpu.memory_space<hbm>>
      %dma_start3A_47 = tpu.memref_squeeze %dma_start3A_46 : memref<1x128xi32, #tpu.memory_space<hbm>> -> memref<128xi32, #tpu.memory_space<hbm>>
      tpu.enqueue_dma source(%dma_start3A_47 : memref<128xi32, #tpu.memory_space<hbm>>) target(%arg7 : memref<128xi32, #tpu.memory_space<vmem>>) target_semaphore(%run_scoped3A_43 : memref<!tpu.dma_semaphore, #tpu.memory_space<semaphore_mem>>)
      %dma_wait3A_48 = tpu.memref_slice %arg3[%run_scoped3A, %add3A_4] : memref<50x16384xi32, #tpu.memory_space<hbm>> -> memref<1x128xi32, #tpu.memory_space<hbm>>
      %dma_wait3A_49 = tpu.memref_squeeze %dma_wait3A_48 : memref<1x128xi32, #tpu.memory_space<hbm>> -> memref<128xi32, #tpu.memory_space<hbm>>
      %dma_wait3A_50 = tpu.memref_slice %arg3[%run_scoped3A, %add3A_4] : memref<50x16384xi32, #tpu.memory_space<hbm>> -> memref<1x128xi32, #tpu.memory_space<hbm>>
      %dma_wait3A_51 = tpu.memref_squeeze %dma_wait3A_50 : memref<1x128xi32, #tpu.memory_space<hbm>> -> memref<128xi32, #tpu.memory_space<hbm>>
      tpu.wait_dma2 semaphore(%run_scoped3A_43 : memref<!tpu.dma_semaphore, #tpu.memory_space<semaphore_mem>>) src(%dma_wait3A_51 : memref<128xi32, #tpu.memory_space<hbm>>) dst(%arg7 : memref<128xi32, #tpu.memory_space<vmem>>)
      tpu.yield
    }) : () -> ()
    %parallel_loop3A = arith.constant 0 : i32
    %parallel_loop3A_5 = arith.constant 8 : i32
    %parallel_loop3A_6 = arith.constant 1 : i32
    scf.for %parallel_loop3A_43 = %parallel_loop3A to %parallel_loop3A_5 step %parallel_loop3A_6  : i32 {
      %parallel_loop3A_44 = arith.constant 16 : i32
      %parallel_loop3A_45 = arith.muli %parallel_loop3A_43, %parallel_loop3A_44 : i32
      %parallel_loop3A_46 = arith.index_cast %parallel_loop3A_45 : i32 to index
      %parallel_loop3A_47 = tpu.vector_load %arg7[%parallel_loop3A_46] {strides = array<i32>} : memref<128xi32, #tpu.memory_space<vmem>>, vector<16xi32>,
      %parallel_loop3A_48 = arith.constant 5 : i32
      %parallel_loop3A_49 = vector.broadcast %parallel_loop3A_48 : i32 to vector<16xi32>
      %parallel_loop3A_50 = arith.shrui %parallel_loop3A_47, %parallel_loop3A_49 : vector<16xi32>
      %parallel_loop3A_51 = tpu.vector_load_idx %arg6[%parallel_loop3A_50] : memref<31264xi32, #tpu.memory_space<vmem>>[vector<16xi32>], vector<16xi32>,
      %parallel_loop3A_52 = arith.constant 31 : i32
      %parallel_loop3A_53 = vector.broadcast %parallel_loop3A_52 : i32 to vector<16xi32>
      %parallel_loop3A_54 = arith.andi %parallel_loop3A_47, %parallel_loop3A_53 : vector<16xi32>
      %parallel_loop3A_55 = arith.shrui %parallel_loop3A_51, %parallel_loop3A_54 : vector<16xi32>
      %parallel_loop3A_56 = arith.constant 1 : i32
      %parallel_loop3A_57 = vector.broadcast %parallel_loop3A_56 : i32 to vector<16xi32>
      %parallel_loop3A_58 = arith.andi %parallel_loop3A_55, %parallel_loop3A_57 : vector<16xi32>
      %parallel_loop3A_59 = arith.constant 1 : i32
      %parallel_loop3A_60 = vector.broadcast %parallel_loop3A_59 : i32 to vector<16xi32>
      %parallel_loop3A_61 = arith.andi %parallel_loop3A_47, %parallel_loop3A_60 : vector<16xi32>
      %parallel_loop3A_62 = arith.constant 64 : i32
      %parallel_loop3A_63 = vector.broadcast %parallel_loop3A_62 : i32 to vector<16xi32>
      %parallel_loop3A_64 = arith.muli %parallel_loop3A_61, %parallel_loop3A_63 : vector<16xi32>
      %parallel_loop3A_65 = arith.constant 256 : i32
      %parallel_loop3A_66 = vector.broadcast %parallel_loop3A_65 : i32 to vector<16xi32>
      %parallel_loop3A_67 = arith.muli %parallel_loop3A_58, %parallel_loop3A_66 : vector<16xi32>
      %parallel_loop3A_68 = arith.addi %parallel_loop3A_64, %parallel_loop3A_67 : vector<16xi32>
      %parallel_loop3A_69 = arith.constant 16 : i32
      %parallel_loop3A_70 = arith.muli %parallel_loop3A_43, %parallel_loop3A_69 : i32
      %parallel_loop3A_71 = arith.index_cast %parallel_loop3A_70 : i32 to index
      %parallel_loop3A_72 = tpu.vector_load %arg13[%parallel_loop3A_71] {strides = array<i32>} : memref<128xi32, #tpu.memory_space<vmem>>, vector<16xi32>,
      tpu.vector_store %arg13[%parallel_loop3A_71], %parallel_loop3A_68 {strides = array<i32>} : memref<128xi32, #tpu.memory_space<vmem>>, vector<16xi32>,
      %parallel_loop3A_73 = arith.constant 1 : i32
      %parallel_loop3A_74 = vector.broadcast %parallel_loop3A_73 : i32 to vector<16xi32>
      %parallel_loop3A_75 = arith.shrui %parallel_loop3A_47, %parallel_loop3A_74 : vector<16xi32>
      %parallel_loop3A_76 = arith.constant 16 : i32
      %parallel_loop3A_77 = arith.muli %parallel_loop3A_43, %parallel_loop3A_76 : i32
      %parallel_loop3A_78 = arith.index_cast %parallel_loop3A_77 : i32 to index
      %parallel_loop3A_79 = tpu.vector_load %arg7[%parallel_loop3A_78] {strides = array<i32>} : memref<128xi32, #tpu.memory_space<vmem>>, vector<16xi32>,
      tpu.vector_store %arg7[%parallel_loop3A_78], %parallel_loop3A_75 {strides = array<i32>} : memref<128xi32, #tpu.memory_space<vmem>>, vector<16xi32>,
    } {sc.loop_unroll_factor = 4 : i64, sc.parallel_access}
    %dma_start3A = arith.constant 0 : i32
    %dma_start3A_7 = arith.constant 0 : i32
    %dma_start3A_8 = tpu.memref_slice %arg2[%dma_start3A, %dma_start3A_7] : memref<500000x128xf32, #tpu.memory_space<hbm>> -> memref<500000x128xf32, #tpu.memory_space<hbm>>
    tpu.enqueue_indirect_dma source(%dma_start3A_8 : memref<500000x128xf32, #tpu.memory_space<hbm>>) target(%arg9 : memref<128x128xf32, #tpu.memory_space<vmem>>) offsets(%arg7 : memref<128xi32, #tpu.memory_space<vmem>>) semaphore(%arg15 : memref<!tpu.dma_semaphore, #tpu.memory_space<semaphore_mem>>)
    %scan3A = arith.constant 0 : i32
    %scan3A_9 = arith.constant 0 : i32
    %scan3A_10 = arith.constant 100 : i32
    %scan3A_11 = arith.addi %scan3A_9, %scan3A_10 : i32
    %scan3A_12 = arith.constant 1 : i32
    scf.for %scan3A_43 = %scan3A_9 to %scan3A_11 step %scan3A_12  : i32 {
      %mul3A_44 = arith.constant 2 : i32
      %mul3A_45 = arith.muli %mul3A_44, %scan3A_43 : i32
      %add3A_46 = arith.constant 1 : i32
      %add3A_47 = arith.addi %mul3A_45, %add3A_46 : i32
      %jit3A = arith.constant 4 : i32
      %div3A = arith.divsi %add3A_47, %jit3A : i32
      %sign3A = arith.constant 0 : i32
      %sign3A_48 = arith.cmpi sgt, %add3A_47, %sign3A : i32
      %sign3A_49 = arith.extui %sign3A_48 : i1 to i32
      %sign3A_50 = arith.constant 0 : i32
      %sign3A_51 = arith.cmpi slt, %add3A_47, %sign3A_50 : i32
      %sign3A_52 = arith.extui %sign3A_51 : i1 to i32
      %sign3A_53 = arith.subi %sign3A_49, %sign3A_52 : i32
      %sign3A_54 = arith.constant 0 : i32
      %sign3A_55 = arith.cmpi sgt, %jit3A, %sign3A_54 : i32
      %sign3A_56 = arith.extui %sign3A_55 : i1 to i32
      %sign3A_57 = arith.constant 0 : i32
      %sign3A_58 = arith.cmpi slt, %jit3A, %sign3A_57 : i32
      %sign3A_59 = arith.extui %sign3A_58 : i1 to i32
      %sign3A_60 = arith.subi %sign3A_56, %sign3A_59 : i32
      %ne3A = arith.cmpi ne, %sign3A_53, %sign3A_60 : i32
      %rem3A = arith.remsi %add3A_47, %jit3A : i32
      %ne3A_61 = arith.constant 0 : i32
      %ne3A_62 = arith.cmpi ne, %rem3A, %ne3A_61 : i32
      %and3A = arith.andi %ne3A, %ne3A_62 : i1
      %sub3A = arith.constant 1 : i32
      %sub3A_63 = arith.subi %div3A, %sub3A : i32
      %select_n3A = arith.select %and3A, %sub3A_63, %div3A : i32
      %jit3A_64 = arith.constant 4 : i32
      %eq3A = arith.constant 0 : i32
      %eq3A_65 = arith.cmpi eq, %jit3A_64, %eq3A : i32
      %jit3A_66 = arith.constant 1 : i32
      %select_n3A_67 = arith.select %eq3A_65, %jit3A_66, %jit3A_64 : i32
      %rem3A_68 = arith.remsi %add3A_47, %select_n3A_67 : i32
      %ne3A_69 = arith.constant 0 : i32
      %ne3A_70 = arith.cmpi ne, %rem3A_68, %ne3A_69 : i32
      %lt3A = arith.constant 0 : i32
      %lt3A_71 = arith.cmpi slt, %rem3A_68, %lt3A : i32
      %lt3A_72 = arith.constant 0 : i32
      %lt3A_73 = arith.cmpi slt, %select_n3A_67, %lt3A_72 : i32
      %ne3A_74 = arith.xori %lt3A_71, %lt3A_73 : i1
      %and3A_75 = arith.andi %ne3A_74, %ne3A_70 : i1
      %add3A_76 = arith.addi %rem3A_68, %select_n3A_67 : i32
      %select_n3A_77 = arith.select %and3A_75, %add3A_76, %rem3A_68 : i32
      %mul3A_78 = arith.constant 128 : i32
      %mul3A_79 = arith.muli %select_n3A_77, %mul3A_78 : i32
      %add3A_80 = arith.addi %mul3A_2, %mul3A_79 : i32
      "tpu.region"() ({
        %run_scoped3A_225 = tpu.sem_alloc : memref<!tpu.dma_semaphore, #tpu.memory_space<semaphore_mem>>
        %dma_start3A_226 = tpu.memref_slice %arg3[%select_n3A, %add3A_80] : memref<50x16384xi32, #tpu.memory_space<hbm>> -> memref<1x128xi32, #tpu.memory_space<hbm>>
        %dma_start3A_227 = tpu.memref_squeeze %dma_start3A_226 : memref<1x128xi32, #tpu.memory_space<hbm>> -> memref<128xi32, #tpu.memory_space<hbm>>
        %dma_start3A_228 = tpu.memref_slice %arg3[%select_n3A, %add3A_80] : memref<50x16384xi32, #tpu.memory_space<hbm>> -> memref<1x128xi32, #tpu.memory_space<hbm>>
        %dma_start3A_229 = tpu.memref_squeeze %dma_start3A_228 : memref<1x128xi32, #tpu.memory_space<hbm>> -> memref<128xi32, #tpu.memory_space<hbm>>
        tpu.enqueue_dma source(%dma_start3A_229 : memref<128xi32, #tpu.memory_space<hbm>>) target(%arg8 : memref<128xi32, #tpu.memory_space<vmem>>) target_semaphore(%run_scoped3A_225 : memref<!tpu.dma_semaphore, #tpu.memory_space<semaphore_mem>>)
        %dma_wait3A_230 = tpu.memref_slice %arg3[%select_n3A, %add3A_80] : memref<50x16384xi32, #tpu.memory_space<hbm>> -> memref<1x128xi32, #tpu.memory_space<hbm>>
        %dma_wait3A_231 = tpu.memref_squeeze %dma_wait3A_230 : memref<1x128xi32, #tpu.memory_space<hbm>> -> memref<128xi32, #tpu.memory_space<hbm>>
        %dma_wait3A_232 = tpu.memref_slice %arg3[%select_n3A, %add3A_80] : memref<50x16384xi32, #tpu.memory_space<hbm>> -> memref<1x128xi32, #tpu.memory_space<hbm>>
        %dma_wait3A_233 = tpu.memref_squeeze %dma_wait3A_232 : memref<1x128xi32, #tpu.memory_space<hbm>> -> memref<128xi32, #tpu.memory_space<hbm>>
        tpu.wait_dma2 semaphore(%run_scoped3A_225 : memref<!tpu.dma_semaphore, #tpu.memory_space<semaphore_mem>>) src(%dma_wait3A_233 : memref<128xi32, #tpu.memory_space<hbm>>) dst(%arg8 : memref<128xi32, #tpu.memory_space<vmem>>)
        tpu.yield
      }) : () -> ()
      %parallel_loop3A_81 = arith.constant 0 : i32
      %parallel_loop3A_82 = arith.constant 8 : i32
      %parallel_loop3A_83 = arith.constant 1 : i32
      scf.for %parallel_loop3A_225 = %parallel_loop3A_81 to %parallel_loop3A_82 step %parallel_loop3A_83  : i32 {
        %parallel_loop3A_226 = arith.constant 16 : i32
        %parallel_loop3A_227 = arith.muli %parallel_loop3A_225, %parallel_loop3A_226 : i32
        %parallel_loop3A_228 = arith.index_cast %parallel_loop3A_227 : i32 to index
        %parallel_loop3A_229 = tpu.vector_load %arg8[%parallel_loop3A_228] {strides = array<i32>} : memref<128xi32, #tpu.memory_space<vmem>>, vector<16xi32>,
        %parallel_loop3A_230 = arith.constant 5 : i32
        %parallel_loop3A_231 = vector.broadcast %parallel_loop3A_230 : i32 to vector<16xi32>
        %parallel_loop3A_232 = arith.shrui %parallel_loop3A_229, %parallel_loop3A_231 : vector<16xi32>
        %parallel_loop3A_233 = tpu.vector_load_idx %arg6[%parallel_loop3A_232] : memref<31264xi32, #tpu.memory_space<vmem>>[vector<16xi32>], vector<16xi32>,
        %parallel_loop3A_234 = arith.constant 31 : i32
        %parallel_loop3A_235 = vector.broadcast %parallel_loop3A_234 : i32 to vector<16xi32>
        %parallel_loop3A_236 = arith.andi %parallel_loop3A_229, %parallel_loop3A_235 : vector<16xi32>
        %parallel_loop3A_237 = arith.shrui %parallel_loop3A_233, %parallel_loop3A_236 : vector<16xi32>
        %parallel_loop3A_238 = arith.constant 1 : i32
        %parallel_loop3A_239 = vector.broadcast %parallel_loop3A_238 : i32 to vector<16xi32>
        %parallel_loop3A_240 = arith.andi %parallel_loop3A_237, %parallel_loop3A_239 : vector<16xi32>
        %parallel_loop3A_241 = arith.constant 1 : i32
        %parallel_loop3A_242 = vector.broadcast %parallel_loop3A_241 : i32 to vector<16xi32>
        %parallel_loop3A_243 = arith.andi %parallel_loop3A_229, %parallel_loop3A_242 : vector<16xi32>
        %parallel_loop3A_244 = arith.constant 64 : i32
        %parallel_loop3A_245 = vector.broadcast %parallel_loop3A_244 : i32 to vector<16xi32>
        %parallel_loop3A_246 = arith.muli %parallel_loop3A_243, %parallel_loop3A_245 : vector<16xi32>
        %parallel_loop3A_247 = arith.constant 256 : i32
        %parallel_loop3A_248 = vector.broadcast %parallel_loop3A_247 : i32 to vector<16xi32>
        %parallel_loop3A_249 = arith.muli %parallel_loop3A_240, %parallel_loop3A_248 : vector<16xi32>
        %parallel_loop3A_250 = arith.addi %parallel_loop3A_246, %parallel_loop3A_249 : vector<16xi32>
        %parallel_loop3A_251 = arith.constant 16 : i32
        %parallel_loop3A_252 = arith.muli %parallel_loop3A_225, %parallel_loop3A_251 : i32
        %parallel_loop3A_253 = arith.index_cast %parallel_loop3A_252 : i32 to index
        %parallel_loop3A_254 = tpu.vector_load %arg14[%parallel_loop3A_253] {strides = array<i32>} : memref<128xi32, #tpu.memory_space<vmem>>, vector<16xi32>,
        tpu.vector_store %arg14[%parallel_loop3A_253], %parallel_loop3A_250 {strides = array<i32>} : memref<128xi32, #tpu.memory_space<vmem>>, vector<16xi32>,
        %parallel_loop3A_255 = arith.constant 1 : i32
        %parallel_loop3A_256 = vector.broadcast %parallel_loop3A_255 : i32 to vector<16xi32>
        %parallel_loop3A_257 = arith.shrui %parallel_loop3A_229, %parallel_loop3A_256 : vector<16xi32>
        %parallel_loop3A_258 = arith.constant 16 : i32
        %parallel_loop3A_259 = arith.muli %parallel_loop3A_225, %parallel_loop3A_258 : i32
        %parallel_loop3A_260 = arith.index_cast %parallel_loop3A_259 : i32 to index
        %parallel_loop3A_261 = tpu.vector_load %arg8[%parallel_loop3A_260] {strides = array<i32>} : memref<128xi32, #tpu.memory_space<vmem>>, vector<16xi32>,
        tpu.vector_store %arg8[%parallel_loop3A_260], %parallel_loop3A_257 {strides = array<i32>} : memref<128xi32, #tpu.memory_space<vmem>>, vector<16xi32>,
      } {sc.loop_unroll_factor = 4 : i64, sc.parallel_access}
      %dma_start3A_84 = arith.constant 0 : i32
      %dma_start3A_85 = arith.constant 0 : i32
      %dma_start3A_86 = tpu.memref_slice %arg2[%dma_start3A_84, %dma_start3A_85] : memref<500000x128xf32, #tpu.memory_space<hbm>> -> memref<500000x128xf32, #tpu.memory_space<hbm>>
      tpu.enqueue_indirect_dma source(%dma_start3A_86 : memref<500000x128xf32, #tpu.memory_space<hbm>>) target(%arg10 : memref<128x128xf32, #tpu.memory_space<vmem>>) offsets(%arg8 : memref<128xi32, #tpu.memory_space<vmem>>) semaphore(%arg16 : memref<!tpu.dma_semaphore, #tpu.memory_space<semaphore_mem>>)
      %dma_wait3A_87 = arith.constant 0 : i32
      %dma_wait3A_88 = arith.constant 0 : i32
      %dma_wait3A_89 = tpu.memref_slice %arg2[%dma_wait3A_87, %dma_wait3A_88] : memref<500000x128xf32, #tpu.memory_space<hbm>> -> memref<500000x128xf32, #tpu.memory_space<hbm>>
      tpu.wait_indirect_dma semaphore(%arg15 : memref<!tpu.dma_semaphore, #tpu.memory_space<semaphore_mem>>) src(%dma_wait3A_89 : memref<500000x128xf32, #tpu.memory_space<hbm>>) dst(%arg9 : memref<128x128xf32, #tpu.memory_space<vmem>>)
      %ge3A = arith.constant 2 : i32
      %ge3A_90 = arith.cmpi sge, %mul3A_45, %ge3A : i32
      %convert_element_type3A = arith.extui %ge3A_90 : i1 to i32
      %cond3A = arith.constant 0 : i32
      %cond3A_91 = arith.cmpi ne, %convert_element_type3A, %cond3A : i32
      scf.if %cond3A_91 {
        %sub3A_225 = arith.constant 2 : i32
        %sub3A_226 = arith.subi %mul3A_45, %sub3A_225 : i32
        %jit3A_227 = arith.constant 4 : i32
        %div3A_228 = arith.divsi %sub3A_226, %jit3A_227 : i32
        %sign3A_229 = arith.constant 0 : i32
        %sign3A_230 = arith.cmpi sgt, %sub3A_226, %sign3A_229 : i32
        %sign3A_231 = arith.extui %sign3A_230 : i1 to i32
        %sign3A_232 = arith.constant 0 : i32
        %sign3A_233 = arith.cmpi slt, %sub3A_226, %sign3A_232 : i32
        %sign3A_234 = arith.extui %sign3A_233 : i1 to i32
        %sign3A_235 = arith.subi %sign3A_231, %sign3A_234 : i32
        %sign3A_236 = arith.constant 0 : i32
        %sign3A_237 = arith.cmpi sgt, %jit3A_227, %sign3A_236 : i32
        %sign3A_238 = arith.extui %sign3A_237 : i1 to i32
        %sign3A_239 = arith.constant 0 : i32
        %sign3A_240 = arith.cmpi slt, %jit3A_227, %sign3A_239 : i32
        %sign3A_241 = arith.extui %sign3A_240 : i1 to i32
        %sign3A_242 = arith.subi %sign3A_238, %sign3A_241 : i32
        %ne3A_243 = arith.cmpi ne, %sign3A_235, %sign3A_242 : i32
        %rem3A_244 = arith.remsi %sub3A_226, %jit3A_227 : i32
        %ne3A_245 = arith.constant 0 : i32
        %ne3A_246 = arith.cmpi ne, %rem3A_244, %ne3A_245 : i32
        %and3A_247 = arith.andi %ne3A_243, %ne3A_246 : i1
        %sub3A_248 = arith.constant 1 : i32
        %sub3A_249 = arith.subi %div3A_228, %sub3A_248 : i32
        %select_n3A_250 = arith.select %and3A_247, %sub3A_249, %div3A_228 : i32
        %jit3A_251 = arith.constant 4 : i32
        %eq3A_252 = arith.constant 0 : i32
        %eq3A_253 = arith.cmpi eq, %jit3A_251, %eq3A_252 : i32
        %jit3A_254 = arith.constant 1 : i32
        %select_n3A_255 = arith.select %eq3A_253, %jit3A_254, %jit3A_251 : i32
        %rem3A_256 = arith.remsi %sub3A_226, %select_n3A_255 : i32
        %ne3A_257 = arith.constant 0 : i32
        %ne3A_258 = arith.cmpi ne, %rem3A_256, %ne3A_257 : i32
        %lt3A_259 = arith.constant 0 : i32
        %lt3A_260 = arith.cmpi slt, %rem3A_256, %lt3A_259 : i32
        %lt3A_261 = arith.constant 0 : i32
        %lt3A_262 = arith.cmpi slt, %select_n3A_255, %lt3A_261 : i32
        %ne3A_263 = arith.xori %lt3A_260, %lt3A_262 : i1
        %and3A_264 = arith.andi %ne3A_263, %ne3A_258 : i1
        %add3A_265 = arith.addi %rem3A_256, %select_n3A_255 : i32
        %select_n3A_266 = arith.select %and3A_264, %add3A_265, %rem3A_256 : i32
        %mul3A_267 = arith.constant 128 : i32
        %mul3A_268 = arith.muli %select_n3A_266, %mul3A_267 : i32
        %add3A_269 = arith.addi %mul3A_2, %mul3A_268 : i32
        %dma_wait3A_270 = arith.constant 0 : i32
        %dma_wait3A_271 = arith.constant 0 : i32
        %dma_wait3A_272 = tpu.memref_slice %arg11[%dma_wait3A_270, %dma_wait3A_271] : memref<64x129xf32, #tpu.memory_space<vmem>> -> memref<64x128xf32, #tpu.memory_space<vmem>>
        %dma_wait3A_273 = arith.constant 0 : i32
        %dma_wait3A_274 = tpu.memref_slice %arg5[%select_n3A_250, %dma_wait3A_273, %add3A_269] : memref<50x64x16384xf32, #tpu.memory_space<hbm>> -> memref<1x64x128xf32, #tpu.memory_space<hbm>>
        %dma_wait3A_275 = tpu.memref_squeeze %dma_wait3A_274 : memref<1x64x128xf32, #tpu.memory_space<hbm>> -> memref<64x128xf32, #tpu.memory_space<hbm>>
        %dma_wait3A_276 = arith.constant 0 : i32
        %dma_wait3A_277 = tpu.memref_slice %arg5[%select_n3A_250, %dma_wait3A_276, %add3A_269] : memref<50x64x16384xf32, #tpu.memory_space<hbm>> -> memref<1x64x128xf32, #tpu.memory_space<hbm>>
        %dma_wait3A_278 = tpu.memref_squeeze %dma_wait3A_277 : memref<1x64x128xf32, #tpu.memory_space<hbm>> -> memref<64x128xf32, #tpu.memory_space<hbm>>
        %dma_wait3A_279 = arith.constant 0 : i32
        %dma_wait3A_280 = arith.constant 0 : i32
        %dma_wait3A_281 = tpu.memref_slice %arg11[%dma_wait3A_279, %dma_wait3A_280] : memref<64x129xf32, #tpu.memory_space<vmem>> -> memref<64x128xf32, #tpu.memory_space<vmem>>
        tpu.wait_dma2 semaphore(%arg17 : memref<!tpu.dma_semaphore, #tpu.memory_space<semaphore_mem>>) src(%dma_wait3A_281 : memref<64x128xf32, #tpu.memory_space<vmem>>) dst(%dma_wait3A_278 : memref<64x128xf32, #tpu.memory_space<hbm>>)
      } else {
      }
      %parallel_loop3A_92 = arith.constant 0 : i32
      %parallel_loop3A_93 = arith.constant 128 : i32
      %parallel_loop3A_94 = arith.constant 1 : i32
      scf.for %parallel_loop3A_225 = %parallel_loop3A_92 to %parallel_loop3A_93 step %parallel_loop3A_94  : i32 {
        %parallel_loop3A_226 = arith.constant 0 : i32
        %parallel_loop3A_227 = vector.broadcast %parallel_loop3A_226 : i32 to vector<16xi32>
        %parallel_loop3A_228 = vector.broadcast %parallel_loop3A_225 : i32 to vector<16xi32>
        %parallel_loop3A_229 = arith.addi %parallel_loop3A_227, %parallel_loop3A_228 : vector<16xi32>
        %parallel_loop3A_230 = tpu.vector_load_idx %arg13[%parallel_loop3A_229] : memref<128xi32, #tpu.memory_space<vmem>>[vector<16xi32>], vector<16xi32>,
        %parallel_loop3A_231 = arith.constant 8 : i32
        %parallel_loop3A_232 = vector.broadcast %parallel_loop3A_231 : i32 to vector<16xi32>
        %parallel_loop3A_233 = arith.shrui %parallel_loop3A_230, %parallel_loop3A_232 : vector<16xi32>
        %parallel_loop3A_234 = arith.sitofp %parallel_loop3A_233 : vector<16xi32> to vector<16xf32>
        %parallel_loop3A_235 = arith.constant 1.11111116 : f32
        %parallel_loop3A_236 = vector.broadcast %parallel_loop3A_235 : f32 to vector<16xf32>
        %parallel_loop3A_237 = arith.mulf %parallel_loop3A_234, %parallel_loop3A_236 : vector<16xf32>
        %parallel_loop3A_238 = arith.constant 255 : i32
        %parallel_loop3A_239 = vector.broadcast %parallel_loop3A_238 : i32 to vector<16xi32>
        %parallel_loop3A_240 = arith.andi %parallel_loop3A_230, %parallel_loop3A_239 : vector<16xi32>
        %parallel_loop3A_241 = arith.constant 0 : i32
        %parallel_loop3A_242 = vector.broadcast %parallel_loop3A_241 : i32 to vector<16xi32>
        %parallel_loop3A_243 = arith.addi %parallel_loop3A_240, %parallel_loop3A_242 : vector<16xi32>
        %parallel_loop3A_244 = arith.addi %parallel_loop3A_243, %iota3A : vector<16xi32>
        %parallel_loop3A_245 = tpu.vector_load_idx %arg9[%parallel_loop3A_229, %parallel_loop3A_244] : memref<128x128xf32, #tpu.memory_space<vmem>>[vector<16xi32>, vector<16xi32>], vector<16xf32>,
        %parallel_loop3A_246 = arith.constant 0 : i32
        %parallel_loop3A_247 = vector.broadcast %parallel_loop3A_246 : i32 to vector<16xi32>
        %parallel_loop3A_248 = arith.addi %parallel_loop3A_247, %iota3A : vector<16xi32>
        %parallel_loop3A_249 = arith.mulf %parallel_loop3A_245, %parallel_loop3A_237 : vector<16xf32>
        tpu.vector_store_idx %arg11[%parallel_loop3A_248, %parallel_loop3A_229], %parallel_loop3A_249 : memref<64x129xf32, #tpu.memory_space<vmem>>[vector<16xi32>, vector<16xi32>], vector<16xf32>,
        %parallel_loop3A_250 = arith.constant 16 : i32
        %parallel_loop3A_251 = vector.broadcast %parallel_loop3A_250 : i32 to vector<16xi32>
        %parallel_loop3A_252 = arith.addi %parallel_loop3A_240, %parallel_loop3A_251 : vector<16xi32>
        %parallel_loop3A_253 = arith.addi %parallel_loop3A_252, %iota3A : vector<16xi32>
        %parallel_loop3A_254 = tpu.vector_load_idx %arg9[%parallel_loop3A_229, %parallel_loop3A_253] : memref<128x128xf32, #tpu.memory_space<vmem>>[vector<16xi32>, vector<16xi32>], vector<16xf32>,
        %parallel_loop3A_255 = arith.constant 16 : i32
        %parallel_loop3A_256 = vector.broadcast %parallel_loop3A_255 : i32 to vector<16xi32>
        %parallel_loop3A_257 = arith.addi %parallel_loop3A_256, %iota3A : vector<16xi32>
        %parallel_loop3A_258 = arith.mulf %parallel_loop3A_254, %parallel_loop3A_237 : vector<16xf32>
        tpu.vector_store_idx %arg11[%parallel_loop3A_257, %parallel_loop3A_229], %parallel_loop3A_258 : memref<64x129xf32, #tpu.memory_space<vmem>>[vector<16xi32>, vector<16xi32>], vector<16xf32>,
        %parallel_loop3A_259 = arith.constant 32 : i32
        %parallel_loop3A_260 = vector.broadcast %parallel_loop3A_259 : i32 to vector<16xi32>
        %parallel_loop3A_261 = arith.addi %parallel_loop3A_240, %parallel_loop3A_260 : vector<16xi32>
        %parallel_loop3A_262 = arith.addi %parallel_loop3A_261, %iota3A : vector<16xi32>
        %parallel_loop3A_263 = tpu.vector_load_idx %arg9[%parallel_loop3A_229, %parallel_loop3A_262] : memref<128x128xf32, #tpu.memory_space<vmem>>[vector<16xi32>, vector<16xi32>], vector<16xf32>,
        %parallel_loop3A_264 = arith.constant 32 : i32
        %parallel_loop3A_265 = vector.broadcast %parallel_loop3A_264 : i32 to vector<16xi32>
        %parallel_loop3A_266 = arith.addi %parallel_loop3A_265, %iota3A : vector<16xi32>
        %parallel_loop3A_267 = arith.mulf %parallel_loop3A_263, %parallel_loop3A_237 : vector<16xf32>
        tpu.vector_store_idx %arg11[%parallel_loop3A_266, %parallel_loop3A_229], %parallel_loop3A_267 : memref<64x129xf32, #tpu.memory_space<vmem>>[vector<16xi32>, vector<16xi32>], vector<16xf32>,
        %parallel_loop3A_268 = arith.constant 48 : i32
        %parallel_loop3A_269 = vector.broadcast %parallel_loop3A_268 : i32 to vector<16xi32>
        %parallel_loop3A_270 = arith.addi %parallel_loop3A_240, %parallel_loop3A_269 : vector<16xi32>
        %parallel_loop3A_271 = arith.addi %parallel_loop3A_270, %iota3A : vector<16xi32>
        %parallel_loop3A_272 = tpu.vector_load_idx %arg9[%parallel_loop3A_229, %parallel_loop3A_271] : memref<128x128xf32, #tpu.memory_space<vmem>>[vector<16xi32>, vector<16xi32>], vector<16xf32>,
        %parallel_loop3A_273 = arith.constant 48 : i32
        %parallel_loop3A_274 = vector.broadcast %parallel_loop3A_273 : i32 to vector<16xi32>
        %parallel_loop3A_275 = arith.addi %parallel_loop3A_274, %iota3A : vector<16xi32>
        %parallel_loop3A_276 = arith.mulf %parallel_loop3A_272, %parallel_loop3A_237 : vector<16xf32>
        tpu.vector_store_idx %arg11[%parallel_loop3A_275, %parallel_loop3A_229], %parallel_loop3A_276 : memref<64x129xf32, #tpu.memory_space<vmem>>[vector<16xi32>, vector<16xi32>], vector<16xf32>,
      } {sc.loop_unroll_factor = 8 : i64, sc.parallel_access}
      %jit3A_95 = arith.constant 4 : i32
      %div3A_96 = arith.divsi %mul3A_45, %jit3A_95 : i32
      %sign3A_97 = arith.constant 0 : i32
      %sign3A_98 = arith.cmpi sgt, %mul3A_45, %sign3A_97 : i32
      %sign3A_99 = arith.extui %sign3A_98 : i1 to i32
      %sign3A_100 = arith.constant 0 : i32
      %sign3A_101 = arith.cmpi slt, %mul3A_45, %sign3A_100 : i32
      %sign3A_102 = arith.extui %sign3A_101 : i1 to i32
      %sign3A_103 = arith.subi %sign3A_99, %sign3A_102 : i32
      %sign3A_104 = arith.constant 0 : i32
      %sign3A_105 = arith.cmpi sgt, %jit3A_95, %sign3A_104 : i32
      %sign3A_106 = arith.extui %sign3A_105 : i1 to i32
      %sign3A_107 = arith.constant 0 : i32
      %sign3A_108 = arith.cmpi slt, %jit3A_95, %sign3A_107 : i32
      %sign3A_109 = arith.extui %sign3A_108 : i1 to i32
      %sign3A_110 = arith.subi %sign3A_106, %sign3A_109 : i32
      %ne3A_111 = arith.cmpi ne, %sign3A_103, %sign3A_110 : i32
      %rem3A_112 = arith.remsi %mul3A_45, %jit3A_95 : i32
      %ne3A_113 = arith.constant 0 : i32
      %ne3A_114 = arith.cmpi ne, %rem3A_112, %ne3A_113 : i32
      %and3A_115 = arith.andi %ne3A_111, %ne3A_114 : i1
      %sub3A_116 = arith.constant 1 : i32
      %sub3A_117 = arith.subi %div3A_96, %sub3A_116 : i32
      %select_n3A_118 = arith.select %and3A_115, %sub3A_117, %div3A_96 : i32
      %jit3A_119 = arith.constant 4 : i32
      %eq3A_120 = arith.constant 0 : i32
      %eq3A_121 = arith.cmpi eq, %jit3A_119, %eq3A_120 : i32
      %jit3A_122 = arith.constant 1 : i32
      %select_n3A_123 = arith.select %eq3A_121, %jit3A_122, %jit3A_119 : i32
      %rem3A_124 = arith.remsi %mul3A_45, %select_n3A_123 : i32
      %ne3A_125 = arith.constant 0 : i32
      %ne3A_126 = arith.cmpi ne, %rem3A_124, %ne3A_125 : i32
      %lt3A_127 = arith.constant 0 : i32
      %lt3A_128 = arith.cmpi slt, %rem3A_124, %lt3A_127 : i32
      %lt3A_129 = arith.constant 0 : i32
      %lt3A_130 = arith.cmpi slt, %select_n3A_123, %lt3A_129 : i32
      %ne3A_131 = arith.xori %lt3A_128, %lt3A_130 : i1
      %and3A_132 = arith.andi %ne3A_131, %ne3A_126 : i1
      %add3A_133 = arith.addi %rem3A_124, %select_n3A_123 : i32
      %select_n3A_134 = arith.select %and3A_132, %add3A_133, %rem3A_124 : i32
      %mul3A_135 = arith.constant 128 : i32
      %mul3A_136 = arith.muli %select_n3A_134, %mul3A_135 : i32
      %add3A_137 = arith.addi %mul3A_2, %mul3A_136 : i32
      %dma_start3A_138 = arith.constant 0 : i32
      %dma_start3A_139 = arith.constant 0 : i32
      %dma_start3A_140 = tpu.memref_slice %arg11[%dma_start3A_138, %dma_start3A_139] : memref<64x129xf32, #tpu.memory_space<vmem>> -> memref<64x128xf32, #tpu.memory_space<vmem>>
      %dma_start3A_141 = arith.constant 0 : i32
      %dma_start3A_142 = tpu.memref_slice %arg5[%select_n3A_118, %dma_start3A_141, %add3A_137] : memref<50x64x16384xf32, #tpu.memory_space<hbm>> -> memref<1x64x128xf32, #tpu.memory_space<hbm>>
      %dma_start3A_143 = tpu.memref_squeeze %dma_start3A_142 : memref<1x64x128xf32, #tpu.memory_space<hbm>> -> memref<64x128xf32, #tpu.memory_space<hbm>>
      %dma_start3A_144 = arith.constant 0 : i32
      %dma_start3A_145 = tpu.memref_slice %arg5[%select_n3A_118, %dma_start3A_144, %add3A_137] : memref<50x64x16384xf32, #tpu.memory_space<hbm>> -> memref<1x64x128xf32, #tpu.memory_space<hbm>>
      %dma_start3A_146 = tpu.memref_squeeze %dma_start3A_145 : memref<1x64x128xf32, #tpu.memory_space<hbm>> -> memref<64x128xf32, #tpu.memory_space<hbm>>
      %dma_start3A_147 = arith.constant 0 : i32
      %dma_start3A_148 = arith.constant 0 : i32
      %dma_start3A_149 = tpu.memref_slice %arg11[%dma_start3A_147, %dma_start3A_148] : memref<64x129xf32, #tpu.memory_space<vmem>> -> memref<64x128xf32, #tpu.memory_space<vmem>>
      tpu.enqueue_dma source(%dma_start3A_149 : memref<64x128xf32, #tpu.memory_space<vmem>>) target(%dma_start3A_146 : memref<64x128xf32, #tpu.memory_space<hbm>>) target_semaphore(%arg17 : memref<!tpu.dma_semaphore, #tpu.memory_space<semaphore_mem>>)
      %add3A_150 = arith.constant 1 : i32
      %add3A_151 = arith.addi %scan3A_43, %add3A_150 : i32
      %lt3A_152 = arith.constant 100 : i32
      %lt3A_153 = arith.cmpi slt, %add3A_151, %lt3A_152 : i32
      %convert_element_type3A_154 = arith.extui %lt3A_153 : i1 to i32
      %cond3A_155 = arith.constant 0 : i32
      %cond3A_156 = arith.cmpi ne, %convert_element_type3A_154, %cond3A_155 : i32
      scf.if %cond3A_156 {
        %add3A_225 = arith.constant 2 : i32
        %add3A_226 = arith.addi %mul3A_45, %add3A_225 : i32
        %jit3A_227 = arith.constant 4 : i32
        %div3A_228 = arith.divsi %add3A_226, %jit3A_227 : i32
        %sign3A_229 = arith.constant 0 : i32
        %sign3A_230 = arith.cmpi sgt, %add3A_226, %sign3A_229 : i32
        %sign3A_231 = arith.extui %sign3A_230 : i1 to i32
        %sign3A_232 = arith.constant 0 : i32
        %sign3A_233 = arith.cmpi slt, %add3A_226, %sign3A_232 : i32
        %sign3A_234 = arith.extui %sign3A_233 : i1 to i32
        %sign3A_235 = arith.subi %sign3A_231, %sign3A_234 : i32
        %sign3A_236 = arith.constant 0 : i32
        %sign3A_237 = arith.cmpi sgt, %jit3A_227, %sign3A_236 : i32
        %sign3A_238 = arith.extui %sign3A_237 : i1 to i32
        %sign3A_239 = arith.constant 0 : i32
        %sign3A_240 = arith.cmpi slt, %jit3A_227, %sign3A_239 : i32
        %sign3A_241 = arith.extui %sign3A_240 : i1 to i32
        %sign3A_242 = arith.subi %sign3A_238, %sign3A_241 : i32
        %ne3A_243 = arith.cmpi ne, %sign3A_235, %sign3A_242 : i32
        %rem3A_244 = arith.remsi %add3A_226, %jit3A_227 : i32
        %ne3A_245 = arith.constant 0 : i32
        %ne3A_246 = arith.cmpi ne, %rem3A_244, %ne3A_245 : i32
        %and3A_247 = arith.andi %ne3A_243, %ne3A_246 : i1
        %sub3A_248 = arith.constant 1 : i32
        %sub3A_249 = arith.subi %div3A_228, %sub3A_248 : i32
        %select_n3A_250 = arith.select %and3A_247, %sub3A_249, %div3A_228 : i32
        %jit3A_251 = arith.constant 4 : i32
        %eq3A_252 = arith.constant 0 : i32
        %eq3A_253 = arith.cmpi eq, %jit3A_251, %eq3A_252 : i32
        %jit3A_254 = arith.constant 1 : i32
        %select_n3A_255 = arith.select %eq3A_253, %jit3A_254, %jit3A_251 : i32
        %rem3A_256 = arith.remsi %add3A_226, %select_n3A_255 : i32
        %ne3A_257 = arith.constant 0 : i32
        %ne3A_258 = arith.cmpi ne, %rem3A_256, %ne3A_257 : i32
        %lt3A_259 = arith.constant 0 : i32
        %lt3A_260 = arith.cmpi slt, %rem3A_256, %lt3A_259 : i32
        %lt3A_261 = arith.constant 0 : i32
        %lt3A_262 = arith.cmpi slt, %select_n3A_255, %lt3A_261 : i32
        %ne3A_263 = arith.xori %lt3A_260, %lt3A_262 : i1
        %and3A_264 = arith.andi %ne3A_263, %ne3A_258 : i1
        %add3A_265 = arith.addi %rem3A_256, %select_n3A_255 : i32
        %select_n3A_266 = arith.select %and3A_264, %add3A_265, %rem3A_256 : i32
        %mul3A_267 = arith.constant 128 : i32
        %mul3A_268 = arith.muli %select_n3A_266, %mul3A_267 : i32
        %add3A_269 = arith.addi %mul3A_2, %mul3A_268 : i32
        "tpu.region"() ({
          %run_scoped3A_276 = tpu.sem_alloc : memref<!tpu.dma_semaphore, #tpu.memory_space<semaphore_mem>>
          %dma_start3A_277 = tpu.memref_slice %arg3[%select_n3A_250, %add3A_269] : memref<50x16384xi32, #tpu.memory_space<hbm>> -> memref<1x128xi32, #tpu.memory_space<hbm>>
          %dma_start3A_278 = tpu.memref_squeeze %dma_start3A_277 : memref<1x128xi32, #tpu.memory_space<hbm>> -> memref<128xi32, #tpu.memory_space<hbm>>
          %dma_start3A_279 = tpu.memref_slice %arg3[%select_n3A_250, %add3A_269] : memref<50x16384xi32, #tpu.memory_space<hbm>> -> memref<1x128xi32, #tpu.memory_space<hbm>>
          %dma_start3A_280 = tpu.memref_squeeze %dma_start3A_279 : memref<1x128xi32, #tpu.memory_space<hbm>> -> memref<128xi32, #tpu.memory_space<hbm>>
          tpu.enqueue_dma source(%dma_start3A_280 : memref<128xi32, #tpu.memory_space<hbm>>) target(%arg7 : memref<128xi32, #tpu.memory_space<vmem>>) target_semaphore(%run_scoped3A_276 : memref<!tpu.dma_semaphore, #tpu.memory_space<semaphore_mem>>)
          %dma_wait3A_281 = tpu.memref_slice %arg3[%select_n3A_250, %add3A_269] : memref<50x16384xi32, #tpu.memory_space<hbm>> -> memref<1x128xi32, #tpu.memory_space<hbm>>
          %dma_wait3A_282 = tpu.memref_squeeze %dma_wait3A_281 : memref<1x128xi32, #tpu.memory_space<hbm>> -> memref<128xi32, #tpu.memory_space<hbm>>
          %dma_wait3A_283 = tpu.memref_slice %arg3[%select_n3A_250, %add3A_269] : memref<50x16384xi32, #tpu.memory_space<hbm>> -> memref<1x128xi32, #tpu.memory_space<hbm>>
          %dma_wait3A_284 = tpu.memref_squeeze %dma_wait3A_283 : memref<1x128xi32, #tpu.memory_space<hbm>> -> memref<128xi32, #tpu.memory_space<hbm>>
          tpu.wait_dma2 semaphore(%run_scoped3A_276 : memref<!tpu.dma_semaphore, #tpu.memory_space<semaphore_mem>>) src(%dma_wait3A_284 : memref<128xi32, #tpu.memory_space<hbm>>) dst(%arg7 : memref<128xi32, #tpu.memory_space<vmem>>)
          tpu.yield
        }) : () -> ()
        %parallel_loop3A_270 = arith.constant 0 : i32
        %parallel_loop3A_271 = arith.constant 8 : i32
        %parallel_loop3A_272 = arith.constant 1 : i32
        scf.for %parallel_loop3A_276 = %parallel_loop3A_270 to %parallel_loop3A_271 step %parallel_loop3A_272  : i32 {
          %parallel_loop3A_277 = arith.constant 16 : i32
          %parallel_loop3A_278 = arith.muli %parallel_loop3A_276, %parallel_loop3A_277 : i32
          %parallel_loop3A_279 = arith.index_cast %parallel_loop3A_278 : i32 to index
          %parallel_loop3A_280 = tpu.vector_load %arg7[%parallel_loop3A_279] {strides = array<i32>} : memref<128xi32, #tpu.memory_space<vmem>>, vector<16xi32>,
          %parallel_loop3A_281 = arith.constant 5 : i32
          %parallel_loop3A_282 = vector.broadcast %parallel_loop3A_281 : i32 to vector<16xi32>
          %parallel_loop3A_283 = arith.shrui %parallel_loop3A_280, %parallel_loop3A_282 : vector<16xi32>
          %parallel_loop3A_284 = tpu.vector_load_idx %arg6[%parallel_loop3A_283] : memref<31264xi32, #tpu.memory_space<vmem>>[vector<16xi32>], vector<16xi32>,
          %parallel_loop3A_285 = arith.constant 31 : i32
          %parallel_loop3A_286 = vector.broadcast %parallel_loop3A_285 : i32 to vector<16xi32>
          %parallel_loop3A_287 = arith.andi %parallel_loop3A_280, %parallel_loop3A_286 : vector<16xi32>
          %parallel_loop3A_288 = arith.shrui %parallel_loop3A_284, %parallel_loop3A_287 : vector<16xi32>
          %parallel_loop3A_289 = arith.constant 1 : i32
          %parallel_loop3A_290 = vector.broadcast %parallel_loop3A_289 : i32 to vector<16xi32>
          %parallel_loop3A_291 = arith.andi %parallel_loop3A_288, %parallel_loop3A_290 : vector<16xi32>
          %parallel_loop3A_292 = arith.constant 1 : i32
          %parallel_loop3A_293 = vector.broadcast %parallel_loop3A_292 : i32 to vector<16xi32>
          %parallel_loop3A_294 = arith.andi %parallel_loop3A_280, %parallel_loop3A_293 : vector<16xi32>
          %parallel_loop3A_295 = arith.constant 64 : i32
          %parallel_loop3A_296 = vector.broadcast %parallel_loop3A_295 : i32 to vector<16xi32>
          %parallel_loop3A_297 = arith.muli %parallel_loop3A_294, %parallel_loop3A_296 : vector<16xi32>
          %parallel_loop3A_298 = arith.constant 256 : i32
          %parallel_loop3A_299 = vector.broadcast %parallel_loop3A_298 : i32 to vector<16xi32>
          %parallel_loop3A_300 = arith.muli %parallel_loop3A_291, %parallel_loop3A_299 : vector<16xi32>
          %parallel_loop3A_301 = arith.addi %parallel_loop3A_297, %parallel_loop3A_300 : vector<16xi32>
          %parallel_loop3A_302 = arith.constant 16 : i32
          %parallel_loop3A_303 = arith.muli %parallel_loop3A_276, %parallel_loop3A_302 : i32
          %parallel_loop3A_304 = arith.index_cast %parallel_loop3A_303 : i32 to index
          %parallel_loop3A_305 = tpu.vector_load %arg13[%parallel_loop3A_304] {strides = array<i32>} : memref<128xi32, #tpu.memory_space<vmem>>, vector<16xi32>,
          tpu.vector_store %arg13[%parallel_loop3A_304], %parallel_loop3A_301 {strides = array<i32>} : memref<128xi32, #tpu.memory_space<vmem>>, vector<16xi32>,
          %parallel_loop3A_306 = arith.constant 1 : i32
          %parallel_loop3A_307 = vector.broadcast %parallel_loop3A_306 : i32 to vector<16xi32>
          %parallel_loop3A_308 = arith.shrui %parallel_loop3A_280, %parallel_loop3A_307 : vector<16xi32>
          %parallel_loop3A_309 = arith.constant 16 : i32
          %parallel_loop3A_310 = arith.muli %parallel_loop3A_276, %parallel_loop3A_309 : i32
          %parallel_loop3A_311 = arith.index_cast %parallel_loop3A_310 : i32 to index
          %parallel_loop3A_312 = tpu.vector_load %arg7[%parallel_loop3A_311] {strides = array<i32>} : memref<128xi32, #tpu.memory_space<vmem>>, vector<16xi32>,
          tpu.vector_store %arg7[%parallel_loop3A_311], %parallel_loop3A_308 {strides = array<i32>} : memref<128xi32, #tpu.memory_space<vmem>>, vector<16xi32>,
        } {sc.loop_unroll_factor = 4 : i64, sc.parallel_access}
        %dma_start3A_273 = arith.constant 0 : i32
        %dma_start3A_274 = arith.constant 0 : i32
        %dma_start3A_275 = tpu.memref_slice %arg2[%dma_start3A_273, %dma_start3A_274] : memref<500000x128xf32, #tpu.memory_space<hbm>> -> memref<500000x128xf32, #tpu.memory_space<hbm>>
        tpu.enqueue_indirect_dma source(%dma_start3A_275 : memref<500000x128xf32, #tpu.memory_space<hbm>>) target(%arg9 : memref<128x128xf32, #tpu.memory_space<vmem>>) offsets(%arg7 : memref<128xi32, #tpu.memory_space<vmem>>) semaphore(%arg15 : memref<!tpu.dma_semaphore, #tpu.memory_space<semaphore_mem>>)
      } else {
      }
      %dma_wait3A_157 = arith.constant 0 : i32
      %dma_wait3A_158 = arith.constant 0 : i32
      %dma_wait3A_159 = tpu.memref_slice %arg2[%dma_wait3A_157, %dma_wait3A_158] : memref<500000x128xf32, #tpu.memory_space<hbm>> -> memref<500000x128xf32, #tpu.memory_space<hbm>>
      tpu.wait_indirect_dma semaphore(%arg16 : memref<!tpu.dma_semaphore, #tpu.memory_space<semaphore_mem>>) src(%dma_wait3A_159 : memref<500000x128xf32, #tpu.memory_space<hbm>>) dst(%arg10 : memref<128x128xf32, #tpu.memory_space<vmem>>)
      %add3A_160 = arith.constant 1 : i32
      %add3A_161 = arith.addi %mul3A_45, %add3A_160 : i32
      %ge3A_162 = arith.constant 2 : i32
      %ge3A_163 = arith.cmpi sge, %add3A_161, %ge3A_162 : i32
      %convert_element_type3A_164 = arith.extui %ge3A_163 : i1 to i32
      %cond3A_165 = arith.constant 0 : i32
      %cond3A_166 = arith.cmpi ne, %convert_element_type3A_164, %cond3A_165 : i32
      scf.if %cond3A_166 {
        %sub3A_225 = arith.constant 2 : i32
        %sub3A_226 = arith.subi %add3A_161, %sub3A_225 : i32
        %jit3A_227 = arith.constant 4 : i32
        %div3A_228 = arith.divsi %sub3A_226, %jit3A_227 : i32
        %sign3A_229 = arith.constant 0 : i32
        %sign3A_230 = arith.cmpi sgt, %sub3A_226, %sign3A_229 : i32
        %sign3A_231 = arith.extui %sign3A_230 : i1 to i32
        %sign3A_232 = arith.constant 0 : i32
        %sign3A_233 = arith.cmpi slt, %sub3A_226, %sign3A_232 : i32
        %sign3A_234 = arith.extui %sign3A_233 : i1 to i32
        %sign3A_235 = arith.subi %sign3A_231, %sign3A_234 : i32
        %sign3A_236 = arith.constant 0 : i32
        %sign3A_237 = arith.cmpi sgt, %jit3A_227, %sign3A_236 : i32
        %sign3A_238 = arith.extui %sign3A_237 : i1 to i32
        %sign3A_239 = arith.constant 0 : i32
        %sign3A_240 = arith.cmpi slt, %jit3A_227, %sign3A_239 : i32
        %sign3A_241 = arith.extui %sign3A_240 : i1 to i32
        %sign3A_242 = arith.subi %sign3A_238, %sign3A_241 : i32
        %ne3A_243 = arith.cmpi ne, %sign3A_235, %sign3A_242 : i32
        %rem3A_244 = arith.remsi %sub3A_226, %jit3A_227 : i32
        %ne3A_245 = arith.constant 0 : i32
        %ne3A_246 = arith.cmpi ne, %rem3A_244, %ne3A_245 : i32
        %and3A_247 = arith.andi %ne3A_243, %ne3A_246 : i1
        %sub3A_248 = arith.constant 1 : i32
        %sub3A_249 = arith.subi %div3A_228, %sub3A_248 : i32
        %select_n3A_250 = arith.select %and3A_247, %sub3A_249, %div3A_228 : i32
        %jit3A_251 = arith.constant 4 : i32
        %eq3A_252 = arith.constant 0 : i32
        %eq3A_253 = arith.cmpi eq, %jit3A_251, %eq3A_252 : i32
        %jit3A_254 = arith.constant 1 : i32
        %select_n3A_255 = arith.select %eq3A_253, %jit3A_254, %jit3A_251 : i32
        %rem3A_256 = arith.remsi %sub3A_226, %select_n3A_255 : i32
        %ne3A_257 = arith.constant 0 : i32
        %ne3A_258 = arith.cmpi ne, %rem3A_256, %ne3A_257 : i32
        %lt3A_259 = arith.constant 0 : i32
        %lt3A_260 = arith.cmpi slt, %rem3A_256, %lt3A_259 : i32
        %lt3A_261 = arith.constant 0 : i32
        %lt3A_262 = arith.cmpi slt, %select_n3A_255, %lt3A_261 : i32
        %ne3A_263 = arith.xori %lt3A_260, %lt3A_262 : i1
        %and3A_264 = arith.andi %ne3A_263, %ne3A_258 : i1
        %add3A_265 = arith.addi %rem3A_256, %select_n3A_255 : i32
        %select_n3A_266 = arith.select %and3A_264, %add3A_265, %rem3A_256 : i32
        %mul3A_267 = arith.constant 128 : i32
        %mul3A_268 = arith.muli %select_n3A_266, %mul3A_267 : i32
        %add3A_269 = arith.addi %mul3A_2, %mul3A_268 : i32
        %dma_wait3A_270 = arith.constant 0 : i32
        %dma_wait3A_271 = arith.constant 0 : i32
        %dma_wait3A_272 = tpu.memref_slice %arg12[%dma_wait3A_270, %dma_wait3A_271] : memref<64x129xf32, #tpu.memory_space<vmem>> -> memref<64x128xf32, #tpu.memory_space<vmem>>
        %dma_wait3A_273 = arith.constant 0 : i32
        %dma_wait3A_274 = tpu.memref_slice %arg5[%select_n3A_250, %dma_wait3A_273, %add3A_269] : memref<50x64x16384xf32, #tpu.memory_space<hbm>> -> memref<1x64x128xf32, #tpu.memory_space<hbm>>
        %dma_wait3A_275 = tpu.memref_squeeze %dma_wait3A_274 : memref<1x64x128xf32, #tpu.memory_space<hbm>> -> memref<64x128xf32, #tpu.memory_space<hbm>>
        %dma_wait3A_276 = arith.constant 0 : i32
        %dma_wait3A_277 = tpu.memref_slice %arg5[%select_n3A_250, %dma_wait3A_276, %add3A_269] : memref<50x64x16384xf32, #tpu.memory_space<hbm>> -> memref<1x64x128xf32, #tpu.memory_space<hbm>>
        %dma_wait3A_278 = tpu.memref_squeeze %dma_wait3A_277 : memref<1x64x128xf32, #tpu.memory_space<hbm>> -> memref<64x128xf32, #tpu.memory_space<hbm>>
        %dma_wait3A_279 = arith.constant 0 : i32
        %dma_wait3A_280 = arith.constant 0 : i32
        %dma_wait3A_281 = tpu.memref_slice %arg12[%dma_wait3A_279, %dma_wait3A_280] : memref<64x129xf32, #tpu.memory_space<vmem>> -> memref<64x128xf32, #tpu.memory_space<vmem>>
        tpu.wait_dma2 semaphore(%arg18 : memref<!tpu.dma_semaphore, #tpu.memory_space<semaphore_mem>>) src(%dma_wait3A_281 : memref<64x128xf32, #tpu.memory_space<vmem>>) dst(%dma_wait3A_278 : memref<64x128xf32, #tpu.memory_space<hbm>>)
      } else {
      }
      %parallel_loop3A_167 = arith.constant 0 : i32
      %parallel_loop3A_168 = arith.constant 128 : i32
      %parallel_loop3A_169 = arith.constant 1 : i32
      scf.for %parallel_loop3A_225 = %parallel_loop3A_167 to %parallel_loop3A_168 step %parallel_loop3A_169  : i32 {
        %parallel_loop3A_226 = arith.constant 0 : i32
        %parallel_loop3A_227 = vector.broadcast %parallel_loop3A_226 : i32 to vector<16xi32>
        %parallel_loop3A_228 = vector.broadcast %parallel_loop3A_225 : i32 to vector<16xi32>
        %parallel_loop3A_229 = arith.addi %parallel_loop3A_227, %parallel_loop3A_228 : vector<16xi32>
        %parallel_loop3A_230 = tpu.vector_load_idx %arg14[%parallel_loop3A_229] : memref<128xi32, #tpu.memory_space<vmem>>[vector<16xi32>], vector<16xi32>,
        %parallel_loop3A_231 = arith.constant 8 : i32
        %parallel_loop3A_232 = vector.broadcast %parallel_loop3A_231 : i32 to vector<16xi32>
        %parallel_loop3A_233 = arith.shrui %parallel_loop3A_230, %parallel_loop3A_232 : vector<16xi32>
        %parallel_loop3A_234 = arith.sitofp %parallel_loop3A_233 : vector<16xi32> to vector<16xf32>
        %parallel_loop3A_235 = arith.constant 1.11111116 : f32
        %parallel_loop3A_236 = vector.broadcast %parallel_loop3A_235 : f32 to vector<16xf32>
        %parallel_loop3A_237 = arith.mulf %parallel_loop3A_234, %parallel_loop3A_236 : vector<16xf32>
        %parallel_loop3A_238 = arith.constant 255 : i32
        %parallel_loop3A_239 = vector.broadcast %parallel_loop3A_238 : i32 to vector<16xi32>
        %parallel_loop3A_240 = arith.andi %parallel_loop3A_230, %parallel_loop3A_239 : vector<16xi32>
        %parallel_loop3A_241 = arith.constant 0 : i32
        %parallel_loop3A_242 = vector.broadcast %parallel_loop3A_241 : i32 to vector<16xi32>
        %parallel_loop3A_243 = arith.addi %parallel_loop3A_240, %parallel_loop3A_242 : vector<16xi32>
        %parallel_loop3A_244 = arith.addi %parallel_loop3A_243, %iota3A : vector<16xi32>
        %parallel_loop3A_245 = tpu.vector_load_idx %arg10[%parallel_loop3A_229, %parallel_loop3A_244] : memref<128x128xf32, #tpu.memory_space<vmem>>[vector<16xi32>, vector<16xi32>], vector<16xf32>,
        %parallel_loop3A_246 = arith.constant 0 : i32
        %parallel_loop3A_247 = vector.broadcast %parallel_loop3A_246 : i32 to vector<16xi32>
        %parallel_loop3A_248 = arith.addi %parallel_loop3A_247, %iota3A : vector<16xi32>
        %parallel_loop3A_249 = arith.mulf %parallel_loop3A_245, %parallel_loop3A_237 : vector<16xf32>
        tpu.vector_store_idx %arg12[%parallel_loop3A_248, %parallel_loop3A_229], %parallel_loop3A_249 : memref<64x129xf32, #tpu.memory_space<vmem>>[vector<16xi32>, vector<16xi32>], vector<16xf32>,
        %parallel_loop3A_250 = arith.constant 16 : i32
        %parallel_loop3A_251 = vector.broadcast %parallel_loop3A_250 : i32 to vector<16xi32>
        %parallel_loop3A_252 = arith.addi %parallel_loop3A_240, %parallel_loop3A_251 : vector<16xi32>
        %parallel_loop3A_253 = arith.addi %parallel_loop3A_252, %iota3A : vector<16xi32>
        %parallel_loop3A_254 = tpu.vector_load_idx %arg10[%parallel_loop3A_229, %parallel_loop3A_253] : memref<128x128xf32, #tpu.memory_space<vmem>>[vector<16xi32>, vector<16xi32>], vector<16xf32>,
        %parallel_loop3A_255 = arith.constant 16 : i32
        %parallel_loop3A_256 = vector.broadcast %parallel_loop3A_255 : i32 to vector<16xi32>
        %parallel_loop3A_257 = arith.addi %parallel_loop3A_256, %iota3A : vector<16xi32>
        %parallel_loop3A_258 = arith.mulf %parallel_loop3A_254, %parallel_loop3A_237 : vector<16xf32>
        tpu.vector_store_idx %arg12[%parallel_loop3A_257, %parallel_loop3A_229], %parallel_loop3A_258 : memref<64x129xf32, #tpu.memory_space<vmem>>[vector<16xi32>, vector<16xi32>], vector<16xf32>,
        %parallel_loop3A_259 = arith.constant 32 : i32
        %parallel_loop3A_260 = vector.broadcast %parallel_loop3A_259 : i32 to vector<16xi32>
        %parallel_loop3A_261 = arith.addi %parallel_loop3A_240, %parallel_loop3A_260 : vector<16xi32>
        %parallel_loop3A_262 = arith.addi %parallel_loop3A_261, %iota3A : vector<16xi32>
        %parallel_loop3A_263 = tpu.vector_load_idx %arg10[%parallel_loop3A_229, %parallel_loop3A_262] : memref<128x128xf32, #tpu.memory_space<vmem>>[vector<16xi32>, vector<16xi32>], vector<16xf32>,
        %parallel_loop3A_264 = arith.constant 32 : i32
        %parallel_loop3A_265 = vector.broadcast %parallel_loop3A_264 : i32 to vector<16xi32>
        %parallel_loop3A_266 = arith.addi %parallel_loop3A_265, %iota3A : vector<16xi32>
        %parallel_loop3A_267 = arith.mulf %parallel_loop3A_263, %parallel_loop3A_237 : vector<16xf32>
        tpu.vector_store_idx %arg12[%parallel_loop3A_266, %parallel_loop3A_229], %parallel_loop3A_267 : memref<64x129xf32, #tpu.memory_space<vmem>>[vector<16xi32>, vector<16xi32>], vector<16xf32>,
        %parallel_loop3A_268 = arith.constant 48 : i32
        %parallel_loop3A_269 = vector.broadcast %parallel_loop3A_268 : i32 to vector<16xi32>
        %parallel_loop3A_270 = arith.addi %parallel_loop3A_240, %parallel_loop3A_269 : vector<16xi32>
        %parallel_loop3A_271 = arith.addi %parallel_loop3A_270, %iota3A : vector<16xi32>
        %parallel_loop3A_272 = tpu.vector_load_idx %arg10[%parallel_loop3A_229, %parallel_loop3A_271] : memref<128x128xf32, #tpu.memory_space<vmem>>[vector<16xi32>, vector<16xi32>], vector<16xf32>,
        %parallel_loop3A_273 = arith.constant 48 : i32
        %parallel_loop3A_274 = vector.broadcast %parallel_loop3A_273 : i32 to vector<16xi32>
        %parallel_loop3A_275 = arith.addi %parallel_loop3A_274, %iota3A : vector<16xi32>
        %parallel_loop3A_276 = arith.mulf %parallel_loop3A_272, %parallel_loop3A_237 : vector<16xf32>
        tpu.vector_store_idx %arg12[%parallel_loop3A_275, %parallel_loop3A_229], %parallel_loop3A_276 : memref<64x129xf32, #tpu.memory_space<vmem>>[vector<16xi32>, vector<16xi32>], vector<16xf32>,
      } {sc.loop_unroll_factor = 8 : i64, sc.parallel_access}
      %jit3A_170 = arith.constant 4 : i32
      %div3A_171 = arith.divsi %add3A_161, %jit3A_170 : i32
      %sign3A_172 = arith.constant 0 : i32
      %sign3A_173 = arith.cmpi sgt, %add3A_161, %sign3A_172 : i32
      %sign3A_174 = arith.extui %sign3A_173 : i1 to i32
      %sign3A_175 = arith.constant 0 : i32
      %sign3A_176 = arith.cmpi slt, %add3A_161, %sign3A_175 : i32
      %sign3A_177 = arith.extui %sign3A_176 : i1 to i32
      %sign3A_178 = arith.subi %sign3A_174, %sign3A_177 : i32
      %sign3A_179 = arith.constant 0 : i32
      %sign3A_180 = arith.cmpi sgt, %jit3A_170, %sign3A_179 : i32
      %sign3A_181 = arith.extui %sign3A_180 : i1 to i32
      %sign3A_182 = arith.constant 0 : i32
      %sign3A_183 = arith.cmpi slt, %jit3A_170, %sign3A_182 : i32
      %sign3A_184 = arith.extui %sign3A_183 : i1 to i32
      %sign3A_185 = arith.subi %sign3A_181, %sign3A_184 : i32
      %ne3A_186 = arith.cmpi ne, %sign3A_178, %sign3A_185 : i32
      %rem3A_187 = arith.remsi %add3A_161, %jit3A_170 : i32
      %ne3A_188 = arith.constant 0 : i32
      %ne3A_189 = arith.cmpi ne, %rem3A_187, %ne3A_188 : i32
      %and3A_190 = arith.andi %ne3A_186, %ne3A_189 : i1
      %sub3A_191 = arith.constant 1 : i32
      %sub3A_192 = arith.subi %div3A_171, %sub3A_191 : i32
      %select_n3A_193 = arith.select %and3A_190, %sub3A_192, %div3A_171 : i32
      %jit3A_194 = arith.constant 4 : i32
      %eq3A_195 = arith.constant 0 : i32
      %eq3A_196 = arith.cmpi eq, %jit3A_194, %eq3A_195 : i32
      %jit3A_197 = arith.constant 1 : i32
      %select_n3A_198 = arith.select %eq3A_196, %jit3A_197, %jit3A_194 : i32
      %rem3A_199 = arith.remsi %add3A_161, %select_n3A_198 : i32
      %ne3A_200 = arith.constant 0 : i32
      %ne3A_201 = arith.cmpi ne, %rem3A_199, %ne3A_200 : i32
      %lt3A_202 = arith.constant 0 : i32
      %lt3A_203 = arith.cmpi slt, %rem3A_199, %lt3A_202 : i32
      %lt3A_204 = arith.constant 0 : i32
      %lt3A_205 = arith.cmpi slt, %select_n3A_198, %lt3A_204 : i32
      %ne3A_206 = arith.xori %lt3A_203, %lt3A_205 : i1
      %and3A_207 = arith.andi %ne3A_206, %ne3A_201 : i1
      %add3A_208 = arith.addi %rem3A_199, %select_n3A_198 : i32
      %select_n3A_209 = arith.select %and3A_207, %add3A_208, %rem3A_199 : i32
      %mul3A_210 = arith.constant 128 : i32
      %mul3A_211 = arith.muli %select_n3A_209, %mul3A_210 : i32
      %add3A_212 = arith.addi %mul3A_2, %mul3A_211 : i32
      %dma_start3A_213 = arith.constant 0 : i32
      %dma_start3A_214 = arith.constant 0 : i32
      %dma_start3A_215 = tpu.memref_slice %arg12[%dma_start3A_213, %dma_start3A_214] : memref<64x129xf32, #tpu.memory_space<vmem>> -> memref<64x128xf32, #tpu.memory_space<vmem>>
      %dma_start3A_216 = arith.constant 0 : i32
      %dma_start3A_217 = tpu.memref_slice %arg5[%select_n3A_193, %dma_start3A_216, %add3A_212] : memref<50x64x16384xf32, #tpu.memory_space<hbm>> -> memref<1x64x128xf32, #tpu.memory_space<hbm>>
      %dma_start3A_218 = tpu.memref_squeeze %dma_start3A_217 : memref<1x64x128xf32, #tpu.memory_space<hbm>> -> memref<64x128xf32, #tpu.memory_space<hbm>>
      %dma_start3A_219 = arith.constant 0 : i32
      %dma_start3A_220 = tpu.memref_slice %arg5[%select_n3A_193, %dma_start3A_219, %add3A_212] : memref<50x64x16384xf32, #tpu.memory_space<hbm>> -> memref<1x64x128xf32, #tpu.memory_space<hbm>>
      %dma_start3A_221 = tpu.memref_squeeze %dma_start3A_220 : memref<1x64x128xf32, #tpu.memory_space<hbm>> -> memref<64x128xf32, #tpu.memory_space<hbm>>
      %dma_start3A_222 = arith.constant 0 : i32
      %dma_start3A_223 = arith.constant 0 : i32
      %dma_start3A_224 = tpu.memref_slice %arg12[%dma_start3A_222, %dma_start3A_223] : memref<64x129xf32, #tpu.memory_space<vmem>> -> memref<64x128xf32, #tpu.memory_space<vmem>>
      tpu.enqueue_dma source(%dma_start3A_224 : memref<64x128xf32, #tpu.memory_space<vmem>>) target(%dma_start3A_221 : memref<64x128xf32, #tpu.memory_space<hbm>>) target_semaphore(%arg18 : memref<!tpu.dma_semaphore, #tpu.memory_space<semaphore_mem>>)
    }
    %scan3A_13 = arith.constant 100 : i32
    %add3A_14 = arith.constant 256 : i32
    %add3A_15 = arith.addi %mul3A_2, %add3A_14 : i32
    %dma_wait3A = arith.constant 49 : i32
    %dma_wait3A_16 = arith.constant 0 : i32
    %dma_wait3A_17 = arith.constant 0 : i32
    %dma_wait3A_18 = tpu.memref_slice %arg11[%dma_wait3A_16, %dma_wait3A_17] : memref<64x129xf32, #tpu.memory_space<vmem>> -> memref<64x128xf32, #tpu.memory_space<vmem>>
    %dma_wait3A_19 = arith.constant 0 : i32
    %dma_wait3A_20 = tpu.memref_slice %arg5[%dma_wait3A, %dma_wait3A_19, %add3A_15] : memref<50x64x16384xf32, #tpu.memory_space<hbm>> -> memref<1x64x128xf32, #tpu.memory_space<hbm>>
    %dma_wait3A_21 = tpu.memref_squeeze %dma_wait3A_20 : memref<1x64x128xf32, #tpu.memory_space<hbm>> -> memref<64x128xf32, #tpu.memory_space<hbm>>
    %dma_wait3A_22 = arith.constant 0 : i32
    %dma_wait3A_23 = tpu.memref_slice %arg5[%dma_wait3A, %dma_wait3A_22, %add3A_15] : memref<50x64x16384xf32, #tpu.memory_space<hbm>> -> memref<1x64x128xf32, #tpu.memory_space<hbm>>
    %dma_wait3A_24 = tpu.memref_squeeze %dma_wait3A_23 : memref<1x64x128xf32, #tpu.memory_space<hbm>> -> memref<64x128xf32, #tpu.memory_space<hbm>>
    %dma_wait3A_25 = arith.constant 0 : i32
    %dma_wait3A_26 = arith.constant 0 : i32
    %dma_wait3A_27 = tpu.memref_slice %arg11[%dma_wait3A_25, %dma_wait3A_26] : memref<64x129xf32, #tpu.memory_space<vmem>> -> memref<64x128xf32, #tpu.memory_space<vmem>>
    tpu.wait_dma2 semaphore(%arg17 : memref<!tpu.dma_semaphore, #tpu.memory_space<semaphore_mem>>) src(%dma_wait3A_27 : memref<64x128xf32, #tpu.memory_space<vmem>>) dst(%dma_wait3A_24 : memref<64x128xf32, #tpu.memory_space<hbm>>)
    %add3A_28 = arith.constant 384 : i32
    %add3A_29 = arith.addi %mul3A_2, %add3A_28 : i32
    %dma_wait3A_30 = arith.constant 49 : i32
    %dma_wait3A_31 = arith.constant 0 : i32
    %dma_wait3A_32 = arith.constant 0 : i32
    %dma_wait3A_33 = tpu.memref_slice %arg12[%dma_wait3A_31, %dma_wait3A_32] : memref<64x129xf32, #tpu.memory_space<vmem>> -> memref<64x128xf32, #tpu.memory_space<vmem>>
    %dma_wait3A_34 = arith.constant 0 : i32
    %dma_wait3A_35 = tpu.memref_slice %arg5[%dma_wait3A_30, %dma_wait3A_34, %add3A_29] : memref<50x64x16384xf32, #tpu.memory_space<hbm>> -> memref<1x64x128xf32, #tpu.memory_space<hbm>>
    %dma_wait3A_36 = tpu.memref_squeeze %dma_wait3A_35 : memref<1x64x128xf32, #tpu.memory_space<hbm>> -> memref<64x128xf32, #tpu.memory_space<hbm>>
    %dma_wait3A_37 = arith.constant 0 : i32
    %dma_wait3A_38 = tpu.memref_slice %arg5[%dma_wait3A_30, %dma_wait3A_37, %add3A_29] : memref<50x64x16384xf32, #tpu.memory_space<hbm>> -> memref<1x64x128xf32, #tpu.memory_space<hbm>>
    %dma_wait3A_39 = tpu.memref_squeeze %dma_wait3A_38 : memref<1x64x128xf32, #tpu.memory_space<hbm>> -> memref<64x128xf32, #tpu.memory_space<hbm>>
    %dma_wait3A_40 = arith.constant 0 : i32
    %dma_wait3A_41 = arith.constant 0 : i32
    %dma_wait3A_42 = tpu.memref_slice %arg12[%dma_wait3A_40, %dma_wait3A_41] : memref<64x129xf32, #tpu.memory_space<vmem>> -> memref<64x128xf32, #tpu.memory_space<vmem>>
    tpu.wait_dma2 semaphore(%arg18 : memref<!tpu.dma_semaphore, #tpu.memory_space<semaphore_mem>>) src(%dma_wait3A_42 : memref<64x128xf32, #tpu.memory_space<vmem>>) dst(%dma_wait3A_39 : memref<64x128xf32, #tpu.memory_space<hbm>>)
    return
  }
}

</mosaic_0001>

<sc_bundles>
// kernel: kernel.3.cloned.1.call-start
scs
__scs_entry_jumppad:
0x0: {  	(pc) =	sbr.rel $0x88, $3  }
0x1: {  	(tag) =	ssettag $0x0;
	lr =	simm.s32 $0x1  }
0x2: {  	[smem:$0x3F9F] =	sst lr;
	_ =	strace $0xD0000000  }
0x3: {  	_ = 	snop  }
0x4: {  	_ = 	snop  }
0x5: {  	_ = 	snop  }
0x6: {  	_ = 	snop  }
0x7: {  	_ = 	snop  }
__scs_overlays_trampoline_lowered:
0x8: {  	[smem:$0x3FAE] =	sst s0  }
0x9: {  	[smem:$0x3FAF] =	sst s1  }
0xa: {  	[smem:$0x3FB0] =	sst s2  }
0xb: {  	[smem:$0x3FB1] =	sst s3  }
0xc: {  	[smem:$0x3FB2] =	sst s4  }
0xd: {  	[smem:$0x3FB3] =	sst s5  }
0xe: {  	[smem:$0x3FB4] =	sst s6  }
0xf: {  	[smem:$0x3FB5] =	sst s7  }
0x10: {  	[smem:$0x3FB6] =	sst s8  }
0x11: {  	[smem:$0x3FB7] =	sst s9;
	s0 =	simm.s32 @!p0 $0x0  }
0x12: {  	s1 =	sld [smem:$0x3F9D];
	s0 =	simm.s32 @p0 $0x1  }
0x13: {  	[smem:$0x3FB8] =	sst s0;
	s0 =	simm.s32 @!p1 $0x0  }
0x14: {  	s2 =	sld [smem:$0x3F9C];
	s0 =	simm.s32 @p1 $0x1  }
0x15: {  	[smem:$0x3FB9] =	sst s0;
	s0 =	simm.s32 @!p2 $0x0  }
0x16: {  	s3 =	sld [smem:$0x3FDB];
	s0 =	simm.s32 @p2 $0x1  }
0x17: {  	s4 =	simm.s32 $0x1BF5;
	[smem:$0x3FBB] =	sst s0  }
0x18: {  	s0 =	sld [smem:$0x3F9E];
	_ =	swait.ge [sflag:s4], $0x0  }
0x19: {  	s7 =	sld [smem:$0x3F9F]  }
0x1a: {  	s8 =	sadd.s32 $0xFFFFE003, lr  }
0x1b: {  	s9 =	sadd.s32 $0xFFFFFEF7, lr;
	s5 =	simm.s32 $0xFFFFFFFF;
	p2 =	slt.u32 s8, $0xFFFFF086  }
0x1c: {  	p1 =	slt.u32 s9, $0xF7A;
	s5 =	simm.s32 @!p2 $0x0  }
0x1d: {  	s5 =	simm.s32 @p1 $0x1;
	p0 =	seq.s32 s7, s2  }
0x1e: {  	s7 =	smul.u32 @!p0 $0xF7A, s2;
	p2 =	seq.s32 @!p0 s5, $0x0  }
0x1f: {  	s9 =	smul.u32 $0xF7A, s1;
	s8 =	simm.s32 @!p0 $0x1BF5;
	p2 =	por !p2, p0  }
0x20: {  	[sflag:s8] =	ssyncset.s32 @!p0 $0xFFFFF086;
	s6 =	sadd.s32 @!p0 s3, s7;
	s7 =	simm.s32 @!p0 $0x108  }
0x21: {  	s3 =	sadd.s32 s3, s9;
	s6 =	sadd.s32 @!p0 $0x88, s6;
	s7 =	simm.s32 @p2 $0x1082  }
0x22: {  	[simem:s7], [sflag:s8] =	dma.local @!p0 [hbm:s6], $0xF7A  }
0x23: {  	s9 =	sor.u32 $0xD0000000, s2;
	s6 =	simm.s32 $0x108;
	_ =	swait.ge @!p0 [sflag:s8], $0x0  }
0x24: {  	s3 =	sadd.s32 $0x88, s3;
	s6 =	simm.s32 @!p1 $0x1082;
	[sflag:s4] =	ssyncset.s32 $0xFFFFF086  }
0x25: {  	[simem:s6], [sflag:s4] =	dma.local [hbm:s3], $0xF7A  }
0x26: {  	[smem:$0x3F9F] =	sst s1;
	(tag) =	ssettag s2;
	_ =	strace s9  }
0x27: {  	s1 =	sld [smem:$0x3FAF]  }
0x28: {  	s2 =	sld [smem:$0x3FB0]  }
0x29: {  	s4 =	sld [smem:$0x3FB2]  }
0x2a: {  	p0 =	seq.s32 s5, $0x0;
	s5 =	sld [smem:$0x3FB3]  }
0x2b: {  	s6 =	sld [smem:$0x3FB4]  }
0x2c: {  	s7 =	sld [smem:$0x3FB5]  }
0x2d: {  	s3 =	simm.s32 $0x108;
	s8 =	sld [smem:$0x3FB6]  }
0x2e: {  	s3 =	simm.s32 @!p0 $0x1082;
	s9 =	sld [smem:$0x3FB7]  }
0x2f: {  	lr =	sadd.s32 s0, s3;
	s0 =	sld [smem:$0x3FAE]  }
0x30: {  	s3 =	sld [smem:$0x3FB1]  }
0x31: {  	[smem:$0x3FBA] =	sst s10  }
0x32: {  	s10 =	sld [smem:$0x3FB8];
	_ =	sdelay $0x3  }
0x33: {  	p0 =	seq.s32 s10, $0x1;
	s10 =	sld [smem:$0x3FBA];
	_ =	sdelay $0x3  }
0x34: {  	[smem:$0x3FBA] =	sst s10  }
0x35: {  	s10 =	sld [smem:$0x3FB9];
	_ =	sdelay $0x3  }
0x36: {  	p1 =	seq.s32 s10, $0x1;
	s10 =	sld [smem:$0x3FBA];
	_ =	sdelay $0x3  }
0x37: {  	[smem:$0x3FBA] =	sst s10  }
0x38: {  	s10 =	sld [smem:$0x3FBB]  }
0x39: {  	_ = 	snop;
	(pc) =	sbr.ind lr, $3  }
0x3a: {  	_ = 	snop  }
0x3b: {  	_ = 	snop  }
0x3c: {  	p2 =	seq.s32 s10, $0x1;
	s10 =	sld [smem:$0x3FBA]  }
0x3d: {  	_ =	shalt  }
0x3e: {  	_ =	shalt  }
0x3f: {  	_ =	shalt  }
0x40: {  	_ =	shalt  }
0x41: {  	_ =	shalt  }
0x42: {  	_ =	shalt  }
0x43: {  	_ =	shalt  }
0x44: {  	_ =	shalt  }
0x45: {  	_ =	shalt  }
0x46: {  	_ =	shalt  }
0x47: {  	_ =	shalt  }
0x48: {  	_ =	shalt  }
0x49: {  	_ =	shalt  }
0x4a: {  	_ =	shalt  }
0x4b: {  	_ =	shalt  }
0x4c: {  	_ =	shalt  }
0x4d: {  	_ =	shalt  }
0x4e: {  	_ =	shalt  }
0x4f: {  	_ =	shalt  }
0x50: {  	_ =	shalt  }
0x51: {  	_ =	shalt  }
0x52: {  	_ =	shalt  }
0x53: {  	_ =	shalt  }
0x54: {  	_ =	shalt  }
0x55: {  	_ =	shalt  }
0x56: {  	_ =	shalt  }
0x57: {  	_ =	shalt  }
0x58: {  	_ =	shalt  }
0x59: {  	_ =	shalt  }
0x5a: {  	_ =	shalt  }
0x5b: {  	_ =	shalt  }
0x5c: {  	_ =	shalt  }
0x5d: {  	_ =	shalt  }
0x5e: {  	_ =	shalt  }
0x5f: {  	_ =	shalt  }
0x60: {  	_ =	shalt  }
0x61: {  	_ =	shalt  }
0x62: {  	_ =	shalt  }
0x63: {  	_ =	shalt  }
0x64: {  	_ =	shalt  }
0x65: {  	_ =	shalt  }
0x66: {  	_ =	shalt  }
0x67: {  	_ =	shalt  }
0x68: {  	_ =	shalt  }
0x69: {  	_ =	shalt  }
0x6a: {  	_ =	shalt  }
0x6b: {  	_ =	shalt  }
0x6c: {  	_ =	shalt  }
0x6d: {  	_ =	shalt  }
0x6e: {  	_ =	shalt  }
0x6f: {  	_ =	shalt  }
0x70: {  	_ =	shalt  }
0x71: {  	_ =	shalt  }
0x72: {  	_ =	shalt  }
0x73: {  	_ =	shalt  }
0x74: {  	_ =	shalt  }
0x75: {  	_ =	shalt  }
0x76: {  	_ =	shalt  }
0x77: {  	_ =	shalt  }
0x78: {  	_ =	shalt  }
0x79: {  	_ =	shalt  }
0x7a: {  	_ =	shalt  }
0x7b: {  	_ =	shalt  }
0x7c: {  	_ =	shalt  }
0x7d: {  	_ =	shalt  }
0x7e: {  	_ =	shalt  }
0x7f: {  	_ =	shalt  }
0x80: {  	_ =	shalt  }
0x81: {  	_ =	shalt  }
0x82: {  	_ =	shalt  }
0x83: {  	_ =	shalt  }
0x84: {  	_ =	shalt  }
0x85: {  	_ =	shalt  }
0x86: {  	_ =	shalt  }
0x87: {  	_ =	shalt  }
.Lfunc_end0:
.L_simem_size_0:
called_computation_lowered:
.L_overlay_start_0:
0x88: {  	s2 =	sld [smem:$0x3FD9]  }
0x89: {  	s3 =	sld [smem:$0x3FFE];
	_ =	sdelay $0x1  }
0x8a: {  	s1 =	srdreg.scid  }
0x8b: {  	s0 =	sand.u32 $0x1, s1  }
0x8c: {  	s17 =	sshll.u32 s0, $0xA;
	s2 =	sadd.s32 s3, s2  }
0x8d: {  	s2 =	sadd.s32 s2, s17  }
0x8e: {  	[smem:$0x3FC6] =	sst s2  }
0x8f: {  	_ = 	snop  }
0x90: {  	s2 =	sld [smem:$0x3FC9]  }
0x91: {  	s18 =	sld [smem:$0x3FD0];
	(tm) =	ssettm $0x1  }
0x92: {  	s4 =	sld [smem:$0x3FFB];
	_ =	sdelay $0x3  }
0x93: {  	_ =	strace s4  }
0x94: {  	s4 =	sld [smem:$0x3FFC];
	_ =	sdelay $0x3  }
0x95: {  	_ =	strace s4  }
0x96: {  	s4 =	sld [smem:$0x3FFD];
	_ =	sdelay $0x3  }
0x97: {  	_ =	strace s4  }
0x98: {  	_ =	strace $0x8FFFFFFF  }
0x99: {  	s19 =	sld [smem:$0x3FDB];
	_ =	sdelay $0x1  }
0x9a: {  	s5 =	simm.s32 $_scs_section_size  }
0x9b: {  	s6 =	simm.s32 $_size__tile_overlayer_lowered;
	s7 =	simm.s32 $_tile_overlayer_lowered  }
0x9c: {  	s22 =	simm.s32 $0x1BFF;
	s21 =	sshll.u32 s7, $0x1;
	s4 =	sadd.s32 s5, s19  }
0x9d: {  	s8 =	simm.s32 $0x0;
	s20 =	sshll.u32 s6, $0x1;
	s6 =	sadd.s32 s21, s4  }
0x9e: {  	[timem:s8], [sflag:s22] =	dma.local [hbm:s6], s20  }
0x9f: {  	_ =	swait.ge [sflag:s22], s20  }
0xa0: {  	s5 =	ssub.s32 $0x0, s20;
	[sflag:s22] =	ssyncset.done $0x0  }
0xa1: {  	[sflag:s22] =	ssyncadd.s32 s5;
	_ =	sdelay $0x1  }
0xa2: {  	s23 =	simm.s32 $0x1B8B  }
0xa3: {  	_ =	swait.ge [sflag:s23], $0x1  }
0xa4: {  	[sflag:s23] =	ssyncset.done $0x0  }
0xa5: {  	s25 =	simm.s32 $0x1B8E;
	s24 =	sld [smem:$0x3FFE];
	[sflag:s23] =	ssyncadd.s32 $0xFFFFFFFF  }
0xa6: {  	s26 =	simm.s32 $execute0_lowered;
	[smem:$0x3FD2] =	sst s25  }
0xa7: {  	s6 =	sshll.u32 s26, $0x1;
	_ =	strace $0x80000046;
	[dreg:$0x1] =	wrdreg $0xFFFFFFFF  }
0xa8: {  	s28 =	simm.s32 $_size_execute0_lowered;
	s4 =	sadd.s32 s4, s6;
	[dreg:$0x0] =	wrdreg $0x0  }
0xa9: {  	s6 =	sshll.u32 s28, $0x1;
	[dreg:$0x2] =	wrdreg s4  }
0xaa: {  	[dreg:$0x3] =	wrdreg s6  }
0xab: {  	[dreg:$0x4] =	wrdreg $0xC0  }
0xac: {  	_ =	task [dreg:s8], $0x5FFFF  }
0xad: {  	[dreg:$0x1] =	wrdreg $0xFFFFFFFF  }
0xae: {  	[dreg:$0x0] =	wrdreg $0x60  }
0xaf: {  	[dreg:$0x2] =	wrdreg s24  }
0xb0: {  	[dreg:$0x3] =	wrdreg s2  }
0xb1: {  	[dreg:$0x4] =	wrdreg s18  }
0xb2: {  	[dreg:$0x5] =	wrdreg $0x9  }
0xb3: {  	_ =	task.clear_ibuf [dreg:s8], $0x6FFFF;
	_ =	strace $0x90000046  }
0xb4: {  	s29 =	simm.s32 $0x9;
	_ =	strace $0x80000048  }
0xb5: {  	_ =	swait.ge [sflag:s29], $0x1  }
0xb6: {  	[sflag:s29] =	ssyncadd.s32 $0xFFFFFFFF  }
0xb7: {  	_ =	strace $0x90000048  }
0xb8: {  	_ =	sfence  }
0xb9: {  	s30 =	sld [smem:$0x0];
	_ =	sdelay $0x2  }
0xba: {  	s31 =	sshll.u32 s1, $0xD;
	s1 =	sshrl.u32 s1, $0x2  }
0xbb: {  	s3 =	sand.u32 $0x4000, s31;
	s1 =	sadd.s32 s1, s30  }
0xbc: {  	s0 =	sor.u32 s3, s0;
	s1 =	sshll.u32 s1, $0x11  }
0xbd: {  	s0 =	sor.u32 s1, s0  }
0xbe: {  	s0 =	sadd.s32 $0x8F2B, s0  }
0xbf: {  	[sflag:s0] =	ssyncadd.remote.s32 $0x1  }
0xc0: {  	_ =	sfence.sel $0xFFFF  }
0xc1: {  	[dreg:$0x0] =	wrdreg $0xFFFFFFFF;
	(pc) =	sbr.abs _section_cstart, $3  }
0xc2: {  	[dreg:$0x1] =	wrdreg $0xFFFFFFFF  }
0xc3: {  	_ =	task.clear_ibuf [dreg:s8], $0x2FFFF;
	_ =	strace $0x9FFFFFFF  }
0xc4: {  	(tm) =	ssettm $0x7FFFFFFF  }
0xc5: {  	_ =	shalt  }
tec
execute0_lowered:
.L_overlay_start_1:
0x0: {  	(tag) =	ssettag $0x1  }
0x1: {  	v0 =	vimm.s32 $0xB80;
	vm14 =	vcmask $0x300  }
0x2: {  	vm13 =	vcmask $0x704;
	vm12 =	vcmask $0xB08;
	vm11 =	vcmask $0xF0C  }
0x3: {  	vm10 =	vcmask $0x1310;
	vm9 =	vcmask $0x1714;
	vm8 =	vcmask $0x1B18  }
0x4: {  	vm7 =	vcmask $0x1F1C;
	vm6 =	vcmask $0x2320;
	vm5 =	vcmask $0x2724  }
0x5: {  	vm4 =	vcmask $0x2B28;
	vm3 =	vcmask $0x2F2C;
	vm2 =	vcmask $0x3330  }
0x6: {  	vm1 =	vcmask $0x3734;
	vm0 =	vcmask $0x3B38;
	v3 =	vimm.s32 $0x1B80  }
0x7: {  	v4 =	vimm.s32 $0x2B80;
	v5 =	vimm.s32 $0x3B80;
	v0 =	vsel vm14, $0x0, v0  }
0x8: {  	v3 =	vsel vm14, $0x1000, v3;
	v4 =	vsel vm14, $0x2000, v4;
	v5 =	vsel vm14, $0x3000, v5  }
0x9: {  	v0 =	vsel vm13, $0x80, v0;
	v3 =	vsel vm13, $0x1080, v3;
	v4 =	vsel vm13, $0x2080, v4  }
0xa: {  	v5 =	vsel vm13, $0x3080, v5;
	v0 =	vsel vm12, $0x100, v0;
	v3 =	vsel vm12, $0x1100, v3  }
0xb: {  	v4 =	vsel vm12, $0x2100, v4;
	v5 =	vsel vm12, $0x3100, v5;
	v0 =	vsel vm11, $0x180, v0  }
0xc: {  	v3 =	vsel vm11, $0x1180, v3;
	v4 =	vsel vm11, $0x2180, v4;
	v5 =	vsel vm11, $0x3180, v5  }
0xd: {  	v0 =	vsel vm10, $0x200, v0;
	v3 =	vsel vm10, $0x1200, v3;
	v4 =	vsel vm10, $0x2200, v4  }
0xe: {  	v5 =	vsel vm10, $0x3200, v5;
	v0 =	vsel vm9, $0x280, v0;
	v3 =	vsel vm9, $0x1280, v3  }
0xf: {  	v4 =	vsel vm9, $0x2280, v4;
	v5 =	vsel vm9, $0x3280, v5;
	v0 =	vsel vm8, $0x300, v0  }
0x10: {  	v3 =	vsel vm8, $0x1300, v3;
	v4 =	vsel vm8, $0x2300, v4;
	v5 =	vsel vm8, $0x3300, v5  }
0x11: {  	s0 =	rddreg [dreg:$0x0];
	v0 =	vsel vm7, $0x380, v0;
	v3 =	vsel vm7, $0x1380, v3;
	v4 =	vsel vm7, $0x2380, v4  }
0x12: {  	s7 =	rddreg [dreg:$0x1];
	v5 =	vsel vm7, $0x3380, v5;
	v0 =	vsel vm6, $0x800, v0;
	v3 =	vsel vm6, $0x1800, v3  }
0x13: {  	s8 =	rddreg [dreg:$0x2];
	s3 =	simm.s32 $0x0;
	s1 =	srdreg.scid;
	v4 =	vsel vm6, $0x2800, v4;
	v5 =	vsel vm6, $0x3800, v5;
	v0 =	vsel vm5, $0x880, v0  }
0x14: {  	s6 =	stileid.u32;
	s11 =	simm.s32 $0x5;
	s13 =	simm.s32 $0x80;
	v3 =	vsel vm5, $0x1880, v3;
	v4 =	vsel vm5, $0x2880, v4;
	v5 =	vsel vm5, $0x3880, v5  }
0x15: {  	s14 =	simm.s32 $0x7B80;
	s15 =	simm.s32 $0x7B00;
	s16 =	simm.s32 $0xBB80;
	v0 =	vsel vm4, $0x900, v0;
	v3 =	vsel vm4, $0x1900, v3;
	v4 =	vsel vm4, $0x2900, v4  }
0x16: {  	s18 =	simm.s32 $0x17B80;
	s19 =	simm.s32 $0xFB80;
	s30 =	simm.s32 $0x17C00;
	v5 =	vsel vm4, $0x3900, v5;
	v1 =	vsel vm3, $0x980, v0;
	v0 =	vlaneseq.u32  }
0x17: {  	s17 =	simm.s32 $0x1;
	[smem:$0x7FF] =	sst s3;
	s5 =	sadd.s32 $0xF42600, s0;
	v3 =	vsel vm3, $0x1980, v3;
	v4 =	vsel vm3, $0x2980, v4;
	v62 =	vor.u32 $0x10, v0  }
0x18: {  	s28 =	simm.s32 $0x2;
	s29 =	simm.s32 $0x4;
	_ =	strace $0x80000047;
	v5 =	vsel vm3, $0x3980, v5;
	v1 =	vsel vm2, $0xA00, v1;
	v56 =	vor.u32 $0x20, v0;
	[tilespmem:$0x1FFA0] =	vst v62  }
0x19: {  	s31 =	simm.s32 $0x13B80;
	s1 =	sand.u32 $0x1, s1;
	s6 =	sshll.u32 s6, $0xA;
	v3 =	vsel vm2, $0x1A00, v3;
	v2 =	vor.u32 $0x30, v0;
	v1 =	vsel vm1, $0xA80, v1;
	[tilespmem:$0x1FFC0] =	vst v56  }
0x1a: {  	s0 =	sadd.s32 $0x200, s0;
	s2 =	ssub.s32 $0x2, s1;
	s1 =	sshll.u32 s1, $0x9;
	v6 =	vsel vm2, $0x2A00, v4;
	v3 =	vsel vm1, $0x1A80, v3;
	[tilespmem:$0x1FFF0] =	vst v2;
	v63 =	vsel vm0, $0xB00, v1  }
0x1b: {  	[dreg:$0x4] =	wrdreg s0;
	s4 =	sshrl.u32 s2, $0x1;
	s1 =	sor.u32 s1, s6;
	v5 =	vsel vm2, $0x3A00, v5;
	v6 =	vsel vm1, $0x2A80, v6;
	v57 =	vsel vm0, $0x1B00, v3;
	[tilespmem:$0x1FF90] =	vst v63  }
0x1c: {  	s25 =	ssub.s32 s2, s4;
	s26 =	sadd.s32 s7, s1;
	s8 =	sadd.s32 s8, s1;
	v7 =	vsel vm1, $0x3A80, v5;
	v33 =	vsel vm0, $0x2B00, v6;
	[tilespmem:$0x1FFB0] =	vst v57  }
0x1d: {  	s10 =	sor.u32 $0x80, s1;
	[dreg:$0x5] =	wrdreg s26;
	s0 =	smax.u32 s25, $0x1;
	v37 =	vsel vm0, $0x3B00, v7;
	[tilespmem:$0x1FFD0] =	vst v33  }
0x1e: {  	s1 =	simm.s32 $0x7A80;
	s2 =	simm.s32 $0x0;
	[dreg:$0x6] =	wrdreg s0;
	[tilespmem:$0x1FFE0] =	vst v37  }
.LBB2_1:
0x1f: {  	[dreg:$0x7] =	wrdreg s2  }
0x20: {  	s0 =	rddreg [dreg:$0x4]  }
0x21: {  	[tilespmem:s3], [sflag:$0x5] =	stream.linear.gather [hbm4b:s0+s3], $0x7A80, $0x38;
	[tilespmem:$0x17C80] =	vst v63  }
0x22: {  	_ =	swait.ge [sflag:s11], $0x7A80  }
0x23: {  	[sflag:s11] =	ssyncset.done $0x0  }
0x24: {  	s26 =	rddreg [dreg:$0x5];
	[sflag:s11] =	ssyncadd.s32 $0xFFFF8580  }
0x25: {  	[tilespmem:s1], [sflag:$0x5] =	stream.linear.gather [hbm4b:s26+s3], $0x80, $0x38;
	[tilespmem:$0x17C80] =	vst v63  }
0x26: {  	_ =	swait.ge [sflag:s11], $0x80  }
0x27: {  	[sflag:s11] =	ssyncset.done $0x0  }
0x28: {  	p0 =	por $0x1, $0x1;
	s0 =	simm.s32 $0x0;
	[sflag:s11] =	ssyncadd.s32 $0xFFFFFF80  }
.LBB2_2:
0x29: {  	v8 =	vld [tilespmem:s0+$0x7A80];
	_ =	sdelay $0x1  }
0x2a: {  	v9 =	vld [tilespmem:s0+$0x7A90]  }
0x2b: {  	v11 =	vld [tilespmem:s0+$0x7AA0]  }
0x2c: {  	v13 =	vld [tilespmem:s0+$0x7AB0]  }
0x2d: {  	v10 =	vshrl.u32 v8, $0x5;
	_ =	sdelay $0x1  }
0x2e: {  	v12 =	vshrl.u32 v9, $0x5  }
0x2f: {  	v14 =	vshrl.u32 v11, $0x5  }
0x30: {  	v15 =	vshrl.u32 v13, $0x5  }
0x31: {  	v10 =	vld.idx.msk [tilespmem:v10+s3+$0x0], $0xffff  }
0x32: {  	v16 =	vand.u32 $0x1F, v8  }
0x33: {  	v17 =	vshll.u32 v8, $0x6;
	v18 =	vand.u32 $0x1F, v9;
	v49 =	vshll.u32 v9, $0x6;
	v12 =	vld.idx.msk [tilespmem:v12+s3+$0x0], $0xffff  }
0x34: {  	v50 =	vand.u32 $0x1F, v11;
	v8 =	vshrl.u32 v8, $0x1;
	v52 =	vand.u32 $0x1F, v13;
	v14 =	vld.idx.msk [tilespmem:v14+s3+$0x0], $0xffff  }
0x35: {  	v54 =	vshll.u32 v11, $0x6;
	v9 =	vshrl.u32 v9, $0x1;
	v59 =	vshll.u32 v13, $0x6;
	v15 =	vld.idx.msk [tilespmem:v15+s3+$0x0], $0xffff  }
0x36: {  	v60 =	vshrl.u32 v11, $0x1;
	v61 =	vshrl.u32 v13, $0x1;
	v10 =	vshrl.u32 v10, v16  }
0x37: {  	v48 =	vand.u32 $0x40, v17;
	v17 =	vand.u32 $0x40, v49;
	[tilespmem:s0+$0x7A80] =	vst v8;
	v10 =	vshll.u32 v10, $0x8  }
0x38: {  	v55 =	vand.u32 $0x40, v54;
	[tilespmem:s0+$0x7A90] =	vst v9;
	v12 =	vshrl.u32 v12, v18;
	v10 =	vand.u32 $0x100, v10  }
0x39: {  	p1 =	por p0, p0;
	[tilespmem:s0+$0x7AA0] =	vst v60;
	v51 =	vshrl.u32 v14, v50;
	v12 =	vshll.u32 v12, $0x8;
	v10 =	vor.u32 v48, v10  }
.Ltmp0:
0x3a: {  	v53 =	vshrl.u32 v15, v52;
	v12 =	vand.u32 $0x100, v12;
	[tilespmem:s0+$0x17B80] =	vst v10;
	v10 =	vshll.u32 v51, $0x8;
	(pc) =	sbr.rel @p1 .LBB2_2-.Ltmp0, $4  }
0x3b: {  	[tilespmem:s0+$0x7AB0] =	vst v61;
	v8 =	vshll.u32 v53, $0x8;
	v12 =	vor.u32 v17, v12;
	v10 =	vand.u32 $0x100, v10  }
0x3c: {  	v8 =	vand.u32 $0x100, v8;
	[tilespmem:s0+$0x17B90] =	vst v12;
	v58 =	vor.u32 v55, v10;
	v10 =	vand.u32 $0x40, v59  }
0x3d: {  	[tilespmem:s0+$0x17BA0] =	vst v58;
	v8 =	vor.u32 v10, v8  }
0x3e: {  	p0 =	por $0x0, $0x0;
	[tilespmem:s0+$0x17BB0] =	vst v8;
	s0 =	simm.s32 $0x40  }
0x3f: {  	[tilespmem:s14], [sflag:$0x1] =	stream.indirect.gather [hbm4b:s5+s13], $0x80, s1, s13, $0xb8;
	[tilespmem:$0x17C80] =	vst v63  }
0x40: {  	s22 =	simm.s32 $0x0  }
.LBB2_4:
0x41: {  	s0 =	sshll.u32 s22, $0x8;
	s21 =	sshll.u32 s22, $0x3  }
0x42: {  	s1 =	sshll.u32 s22, $0xA;
	s24 =	rddreg [dreg:$0x1];
	s25 =	sand.u32 $0x100, s0  }
0x43: {  	s0 =	sand.u32 $0x70, s21;
	s1 =	sand.u32 $0x1C000, s1;
	s23 =	sor.u32 s10, s25  }
0x44: {  	s0 =	sor.u32 s0, s1;
	s1 =	sadd.s32 s24, s23  }
0x45: {  	s26 =	simm.s32 $0x0;
	s0 =	sadd.s32 s0, s1  }
0x46: {  	[tilespmem:s15], [sflag:$0x5] =	stream.linear.gather [hbm4b:s0+s26], $0x80, $0x38;
	[tilespmem:$0x17C80] =	vst v63  }
0x47: {  	_ =	swait.ge [sflag:s11], $0x80  }
0x48: {  	p0 =	por $0x1, $0x1;
	[sflag:s11] =	ssyncset.done $0x0  }
0x49: {  	v3 =	vlaneseq.u32;
	s24 =	sshrl.u32 s22, $0x1;
	s0 =	simm.s32 $0x0;
	[sflag:s11] =	ssyncadd.s32 $0xFFFFFF80  }
.LBB2_5:
0x4a: {  	v8 =	vld [tilespmem:s0+$0x7B00];
	_ =	sdelay $0x1  }
0x4b: {  	v9 =	vld [tilespmem:s0+$0x7B10]  }
0x4c: {  	v11 =	vld [tilespmem:s0+$0x7B20]  }
0x4d: {  	v13 =	vld [tilespmem:s0+$0x7B30]  }
0x4e: {  	v10 =	vshrl.u32 v8, $0x5;
	_ =	sdelay $0x1  }
0x4f: {  	v12 =	vshrl.u32 v9, $0x5  }
0x50: {  	v14 =	vshrl.u32 v11, $0x5  }
0x51: {  	v15 =	vshrl.u32 v13, $0x5  }
0x52: {  	v10 =	vld.idx.msk [tilespmem:v10+s3+$0x0], $0xffff  }
0x53: {  	v16 =	vand.u32 $0x1F, v8  }
0x54: {  	v17 =	vshll.u32 v8, $0x6;
	v18 =	vand.u32 $0x1F, v9;
	v49 =	vshll.u32 v9, $0x6;
	v12 =	vld.idx.msk [tilespmem:v12+s3+$0x0], $0xffff  }
0x55: {  	v50 =	vand.u32 $0x1F, v11;
	v8 =	vshrl.u32 v8, $0x1;
	v52 =	vand.u32 $0x1F, v13;
	v14 =	vld.idx.msk [tilespmem:v14+s3+$0x0], $0xffff  }
0x56: {  	v54 =	vshll.u32 v11, $0x6;
	v9 =	vshrl.u32 v9, $0x1;
	v59 =	vshll.u32 v13, $0x6;
	v15 =	vld.idx.msk [tilespmem:v15+s3+$0x0], $0xffff  }
0x57: {  	v60 =	vshrl.u32 v11, $0x1;
	v61 =	vshrl.u32 v13, $0x1;
	v10 =	vshrl.u32 v10, v16  }
0x58: {  	v48 =	vand.u32 $0x40, v17;
	v17 =	vand.u32 $0x40, v49;
	[tilespmem:s0+$0x7B00] =	vst v8;
	v10 =	vshll.u32 v10, $0x8  }
0x59: {  	v55 =	vand.u32 $0x40, v54;
	[tilespmem:s0+$0x7B10] =	vst v9;
	v12 =	vshrl.u32 v12, v18;
	v10 =	vand.u32 $0x100, v10  }
0x5a: {  	p1 =	por p0, p0;
	[tilespmem:s0+$0x7B20] =	vst v60;
	v51 =	vshrl.u32 v14, v50;
	v12 =	vshll.u32 v12, $0x8;
	v10 =	vor.u32 v48, v10  }
.Ltmp1:
0x5b: {  	v53 =	vshrl.u32 v15, v52;
	v12 =	vand.u32 $0x100, v12;
	[tilespmem:s0+$0x17C00] =	vst v10;
	v10 =	vshll.u32 v51, $0x8;
	(pc) =	sbr.rel @p1 .LBB2_5-.Ltmp1, $4  }
0x5c: {  	[tilespmem:s0+$0x7B30] =	vst v61;
	v8 =	vshll.u32 v53, $0x8;
	v12 =	vor.u32 v17, v12;
	v10 =	vand.u32 $0x100, v10  }
0x5d: {  	v8 =	vand.u32 $0x100, v8;
	[tilespmem:s0+$0x17C10] =	vst v12;
	v58 =	vor.u32 v55, v10;
	v10 =	vand.u32 $0x40, v59  }
0x5e: {  	[tilespmem:s0+$0x17C20] =	vst v58;
	v8 =	vor.u32 v10, v8  }
0x5f: {  	p0 =	por $0x0, $0x0;
	[tilespmem:s0+$0x17C30] =	vst v8;
	s0 =	simm.s32 $0x40  }
0x60: {  	[tilespmem:s16], [sflag:$0x2] =	stream.indirect.gather [hbm4b:s5+s13], $0x80, s15, s13, $0xb8;
	[tilespmem:$0x17C80] =	vst v63  }
0x61: {  	s0 =	simm.s32 $0x5;
	_ =	swait.ge [sflag:s17], $0x4000  }
0x62: {  	p0 =	seq.s32 s22, $0x0;
	s9 =	simm.s32 $0x7;
	v26 =	vmov s0;
	[sflag:s17] =	ssyncset.done $0x0  }
0x63: {  	s2 =	simm.s32 $0x2;
	s1 =	simm.s32 @!p0 $0x3;
	v8 =	vmov s9;
	[sflag:s17] =	ssyncadd.s32 $0xFFFFC000  }
0x64: {  	s7 =	simm.s32 $0x4;
	s6 =	simm.s32 $0x1;
	v13 =	vmov s2;
	_ =	swait.ge @!p0 [sflag:s1], $0x2000  }
0x65: {  	s26 =	simm.s32 $0x0;
	s4 =	simm.s32 $0x6;
	v15 =	vmov s7;
	[sflag:s1] =	ssyncset.done @!p0 $0x0  }
0x66: {  	v22 =	vmov s6;
	v17 =	vmov s4;
	v12 =	vor.u32 s26, v57;
	[sflag:s1] =	ssyncadd.s32 @!p0 $0xFFFFE000  }
0x67: {  	v16 =	vor.u32 s6, v33;
	v18 =	vor.u32 s7, v33;
	v19 =	vor.u32 s0, v57;
	v28 =	vld.idx.msk [tilespmem:v26+s18+$0x0], $0xffff  }
0x68: {  	v11 =	vor.u32 s9, v57;
	v9 =	vor.u32 s9, v33;
	v21 =	vor.u32 s2, v63;
	v27 =	vld.idx.msk [tilespmem:v8+s18+$0x0], $0xffff  }
0x69: {  	v14 =	vor.u32 s7, v57;
	v29 =	vor.u32 s0, v63;
	v20 =	vor.u32 s26, v63;
	v10 =	vld.idx.msk [tilespmem:v13+s18+$0x0], $0xffff  }
0x6a: {  	v36 =	vor.u32 s6, v57;
	v1 =	vor.u32 s4, v63;
	v30 =	vor.u32 s7, v63;
	s1 =	simm.s32 $0x3;
	v32 =	vld.idx.msk [tilespmem:v15+s18+$0x0], $0xffff  }
0x6b: {  	v48 =	vor.u32 s9, v63;
	v49 =	vmov s26;
	v23 =	vmov s1;
	v41 =	vld.idx.msk [tilespmem:v22+s18+$0x0], $0xffff  }
0x6c: {  	v55 =	vor.u32 s6, v63;
	v0 =	vshll.u32 v15, $0x7;
	v25 =	vshll.u32 v22, $0x7  }
0x6d: {  	v24 =	vshll.u32 v17, $0x7;
	v31 =	vshll.u32 v8, $0x7;
	v51 =	vshll.u32 v49, $0x7;
	v38 =	vld.idx.msk [tilespmem:v17+s18+$0x0], $0xffff  }
0x6e: {  	v57 =	vshll.u32 v26, $0x7;
	v13 =	vshll.u32 v13, $0x7;
	v17 =	vshll.u32 v23, $0x7  }
0x6f: {  	v34 =	vand.u32 $0xFF, v27;
	v15 =	vand.u32 $0xFF, v10;
	v39 =	vshrl.u32 v28, $0x8  }
0x70: {  	v35 =	vld.idx.msk [tilespmem:v23+s18+$0x0], $0xffff;
	v23 =	vand.u32 $0xFF, v32;
	v27 =	vshrl.u32 v27, $0x8;
	v47 =	vand.u32 $0xFF, v41  }
0x71: {  	v26 =	vshrl.u32 v41, $0x8;
	v32 =	vshrl.u32 v32, $0x8;
	v8 =	vadd.s32 v3, v34  }
0x72: {  	v23 =	vadd.s32 v0, v23;
	v39 =	vcvt.s32.f32 v39;
	v0 =	vand.u32 $0xFF, v38  }
0x73: {  	v22 =	vadd.s32 v62, v34;
	v27 =	vcvt.s32.f32 v27;
	v45 =	vadd.s32 v56, v34  }
0x74: {  	v7 =	vmovc v2;
	v38 =	vshrl.u32 v38, $0x8;
	v52 =	vadd.s32 v3, v47;
	v26 =	vcvt.s32.f32 v26  }
0x75: {  	v32 =	vcvt.s32.f32 v32;
	v34 =	vadd.s32 v7, v34;
	v40 =	vand.u32 $0x180, v8  }
0x76: {  	v8 =	vand.u32 $0x7F, v8;
	v42 =	vadd.s32 v3, v0;
	v43 =	vand.u32 $0x180, v22  }
0x77: {  	v44 =	vand.u32 $0x7F, v22;
	v46 =	vadd.s32 v62, v0;
	v58 =	vadd.s32 v31, v40  }
0x78: {  	v38 =	vcvt.s32.f32 v38;
	v60 =	vand.u32 $0x180, v45;
	v8 =	vor.u32 v8, v58  }
0x79: {  	v45 =	vand.u32 $0x7F, v45;
	v53 =	vand.u32 $0x180, v52;
	v52 =	vand.u32 $0x7F, v52  }
0x7a: {  	v40 =	vadd.s32 v3, v23;
	v43 =	vadd.s32 v31, v43;
	v59 =	vand.u32 $0x180, v42  }
0x7b: {  	v42 =	vand.u32 $0x7F, v42;
	v27 =	vmul.f32 $1.111111160e+00, v27;
	v50 =	vand.u32 $0x180, v46  }
0x7c: {  	v53 =	vadd.s32 v25, v53;
	v26 =	vmul.f32 $1.111111160e+00, v26;
	v32 =	vmul.f32 $1.111111160e+00, v32  }
0x7d: {  	v46 =	vand.u32 $0x7F, v46;
	v43 =	vor.u32 v44, v43;
	v61 =	vor.u32 v52, v53;
	v8 =	vld.idx.msk [tilespmem:v8+s14+$0x0], $0xffff  }
0x7e: {  	v44 =	vadd.s32 v24, v59;
	v59 =	vadd.s32 v62, v47;
	v50 =	vadd.s32 v24, v50  }
0x7f: {  	v22 =	vand.u32 $0xFF, v35;
	v42 =	vor.u32 v42, v44;
	v44 =	vadd.s32 v31, v60  }
0x80: {  	v60 =	vand.u32 $0x180, v59;
	v52 =	vand.u32 $0x7F, v59;
	v59 =	vand.u32 $0xFF, v28  }
0x81: {  	v35 =	vshrl.u32 v35, $0x8;
	v44 =	vor.u32 v45, v44;
	v45 =	vld.idx.msk [tilespmem:v49+s18+$0x0], $0xffff;
	v49 =	vadd.s32 v56, v47  }
0x82: {  	v53 =	vadd.s32 v25, v60;
	v54 =	vmul.f32 v27, v8;
	v8 =	vmul.f32 $1.111111160e+00, v38;
	v38 =	vld.idx.msk [tilespmem:v61+s14+$0x0], $0xffff  }
0x83: {  	v56 =	vand.u32 $0x180, v49;
	v41 =	vor.u32 v52, v53;
	v53 =	vadd.s32 v3, v22  }
0x84: {  	v52 =	vadd.s32 v62, v23;
	v49 =	vand.u32 $0x7F, v49;
	v58 =	vand.u32 $0x180, v53;
	v40 =	vld.idx.msk [tilespmem:v40+s14+$0x0], $0xffff  }
0x85: {  	v56 =	vadd.s32 v25, v56;
	v53 =	vand.u32 $0x7F, v53;
	v58 =	vadd.s32 v17, v58  }
0x86: {  	v49 =	vor.u32 v49, v56;
	v53 =	vor.u32 v53, v58;
	v60 =	vshrl.u32 v45, $0x8;
	[tilespmem:v48+s19+$0x0] =	vst.idx.msk $0xffff, v54  }
0x87: {  	v28 =	vand.u32 $0xFF, v45;
	v54 =	vadd.s32 v3, v59;
	v43 =	vld.idx.msk [tilespmem:v43+s14+$0x0], $0xffff;
	v38 =	vmul.f32 v26, v38  }
0x88: {  	v42 =	vld.idx.msk [tilespmem:v42+s14+$0x0], $0xffff;
	v28 =	vadd.s32 v51, v28;
	v51 =	vadd.s32 v62, v15;
	v61 =	vand.u32 $0x180, v54  }
0x89: {  	v40 =	vmul.f32 v32, v40;
	v45 =	vadd.s32 v57, v61;
	v61 =	vand.u32 $0x180, v51;
	[tilespmem:v55+s19+$0x0] =	vst.idx.msk $0xffff, v38  }
0x8a: {  	v48 =	vadd.s32 v3, v15;
	v51 =	vand.u32 $0x7F, v51;
	v61 =	vadd.s32 v13, v61;
	v41 =	vld.idx.msk [tilespmem:v41+s14+$0x0], $0xffff  }
0x8b: {  	v3 =	vadd.s32 v3, v28;
	v54 =	vand.u32 $0x7F, v54;
	v38 =	vor.u32 v51, v61;
	v61 =	vld [tilespmem:$0x1FFC0]  }
0x8c: {  	v45 =	vor.u32 v54, v45;
	v54 =	vadd.s32 v62, v59;
	v43 =	vmul.f32 v27, v43  }
0x8d: {  	v58 =	vadd.s32 v2, v59;
	v55 =	vcvt.s32.f32 v60;
	v60 =	vand.u32 $0x180, v54;
	[tilespmem:v30+s19+$0x0] =	vst.idx.msk $0xffff, v40  }
0x8e: {  	v35 =	vcvt.s32.f32 v35;
	v54 =	vand.u32 $0x7F, v54;
	v56 =	vadd.s32 v57, v60;
	v60 =	vld.idx.msk [tilespmem:v52+s14+$0x0], $0xffff;
	[tilespmem:v11+s19+$0x0] =	vst.idx.msk $0xffff, v43  }
0x8f: {  	v42 =	vmul.f32 v8, v42;
	v30 =	vor.u32 v54, v56;
	v54 =	vand.u32 $0x180, v48;
	v56 =	vld [tilespmem:$0x1FFC0]  }
0x90: {  	v43 =	vor.u32 v46, v50;
	v44 =	vld.idx.msk [tilespmem:v44+s14+$0x0], $0xffff;
	v59 =	vadd.s32 v61, v59;
	v11 =	vmul.f32 v26, v41  }
0x91: {  	v51 =	vld.idx.msk [tilespmem:v3+s14+$0x0], $0xffff;
	v50 =	vand.u32 $0x180, v58;
	v40 =	vadd.s32 v13, v54;
	v46 =	vand.u32 $0x180, v59  }
0x92: {  	v41 =	vadd.s32 v57, v46;
	[tilespmem:v36+s19+$0x0] =	vst.idx.msk $0xffff, v11;
	v36 =	vadd.s32 v57, v50;
	v11 =	vmul.f32 $1.111111160e+00, v55  }
0x93: {  	v45 =	vld.idx.msk [tilespmem:v45+s14+$0x0], $0xffff;
	v55 =	vand.u32 $0x7F, v48;
	v46 =	vor.u32 s1, v63;
	v48 =	vmul.f32 v32, v60  }
0x94: {  	v50 =	vadd.s32 v7, v47;
	v47 =	vor.u32 s9, v37;
	v40 =	vor.u32 v55, v40  }
0x95: {  	v57 =	vld [tilespmem:$0x1FFB0];
	v55 =	vadd.s32 v56, v23;
	v44 =	vmul.f32 v44, v27;
	v23 =	vadd.s32 v7, v23  }
0x96: {  	[tilespmem:v1+s19+$0x0] =	vst.idx.msk $0xffff, v42;
	v61 =	vmul.f32 v11, v51;
	v51 =	vshrl.u32 v10, $0x8;
	v10 =	vmul.f32 $1.111111160e+00, v39  }
0x97: {  	v39 =	vadd.s32 v56, v0;
	[tilespmem:v14+s19+$0x0] =	vst.idx.msk $0xffff, v48;
	v14 =	vmul.f32 $1.111111160e+00, v35;
	v0 =	vadd.s32 v7, v0  }
0x98: {  	v43 =	vld.idx.msk [tilespmem:v43+s14+$0x0], $0xffff;
	v35 =	vand.u32 $0x7F, v50;
	v1 =	vcvt.s32.f32 v51;
	[tilespmem:v9+s19+$0x0] =	vst.idx.msk $0xffff, v44;
	v52 =	vmul.f32 v10, v45  }
0x99: {  	v54 =	vld.idx.msk [tilespmem:v53+s14+$0x0], $0xffff;
	v60 =	vand.u32 $0x180, v39;
	v9 =	vand.u32 $0x7F, v34;
	[tilespmem:v20+s19+$0x0] =	vst.idx.msk $0xffff, v61;
	v20 =	vand.u32 $0x7F, v58  }
0x9a: {  	v61 =	vadd.s32 v62, v22;
	[tilespmem:v29+s19+$0x0] =	vst.idx.msk $0xffff, v52;
	v29 =	vand.u32 $0x180, v34;
	v58 =	vor.u32 s4, v57;
	v51 =	vld.idx.msk [tilespmem:v40+s14+$0x0], $0xffff  }
0x9b: {  	v44 =	vand.u32 $0x180, v0;
	v53 =	vand.u32 $0x180, v61;
	v29 =	vadd.s32 v31, v29;
	v30 =	vld.idx.msk [tilespmem:v30+s14+$0x0], $0xffff  }
0x9c: {  	v20 =	vor.u32 v20, v36;
	v36 =	vld.idx.msk [tilespmem:v55+s14+$0x0], $0xffff;
	v55 =	vadd.s32 v17, v53;
	v29 =	vor.u32 v9, v29  }
0x9d: {  	v52 =	vmul.f32 v8, v43;
	v31 =	vand.u32 $0x7F, v61;
	v9 =	vand.u32 $0x180, v50  }
0x9e: {  	v54 =	vmul.f32 v14, v54;
	v61 =	vld.idx.msk [tilespmem:v49+s14+$0x0], $0xffff;
	v31 =	vor.u32 v31, v55;
	v25 =	vadd.s32 v25, v9  }
0x9f: {  	v9 =	vmul.f32 $1.111111160e+00, v1;
	[tilespmem:v58+s19+$0x0] =	vst.idx.msk $0xffff, v52;
	v58 =	vadd.s32 v24, v60;
	v60 =	vadd.s32 v62, v28  }
0xa0: {  	[tilespmem:v46+s19+$0x0] =	vst.idx.msk $0xffff, v54;
	v45 =	vor.u32 s2, v57;
	v46 =	vand.u32 $0x7F, v39;
	v30 =	vmul.f32 v10, v30  }
0xa1: {  	v25 =	vor.u32 v35, v25;
	v34 =	vmul.f32 v9, v51;
	v24 =	vadd.s32 v24, v44;
	v29 =	vld.idx.msk [tilespmem:v29+s14+$0x0], $0xffff  }
0xa2: {  	v36 =	vmul.f32 v36, v32;
	v51 =	vand.u32 $0x7F, v59;
	[tilespmem:v19+s19+$0x0] =	vst.idx.msk $0xffff, v30;
	v19 =	vor.u32 v46, v58  }
0xa3: {  	v50 =	vmul.f32 v61, v26;
	v52 =	vor.u32 v51, v41;
	[tilespmem:v21+s19+$0x0] =	vst.idx.msk $0xffff, v34;
	v31 =	vld.idx.msk [tilespmem:v31+s14+$0x0], $0xffff  }
0xa4: {  	v59 =	vor.u32 s7, v37;
	v21 =	vadd.s32 v56, v15;
	[tilespmem:v18+s19+$0x0] =	vst.idx.msk $0xffff, v36;
	v18 =	vor.u32 s1, v57;
	v49 =	vld.idx.msk [tilespmem:v60+s14+$0x0], $0xffff  }
0xa5: {  	v15 =	vadd.s32 v7, v15;
	v48 =	vand.u32 $0x180, v21;
	v21 =	vand.u32 $0x7F, v21;
	v38 =	vld.idx.msk [tilespmem:v38+s14+$0x0], $0xffff  }
0xa6: {  	v54 =	vld.idx.msk [tilespmem:v23+s14+$0x0], $0xffff;
	v35 =	vadd.s32 v13, v48;
	v27 =	vmul.f32 v29, v27;
	v29 =	vadd.s32 v56, v22  }
0xa7: {  	[tilespmem:v16+s19+$0x0] =	vst.idx.msk $0xffff, v50;
	v21 =	vor.u32 v21, v35;
	v60 =	vor.u32 s6, v37;
	v16 =	vand.u32 $0x180, v29;
	v19 =	vld.idx.msk [tilespmem:v19+s14+$0x0], $0xffff  }
0xa8: {  	[tilespmem:v47+s19+$0x0] =	vst.idx.msk $0xffff, v27;
	v16 =	vadd.s32 v17, v16;
	v27 =	vand.u32 $0x7F, v29;
	v29 =	vadd.s32 v56, v28  }
0xa9: {  	v22 =	vadd.s32 v7, v22;
	v53 =	vmul.f32 v11, v49;
	v16 =	vor.u32 v27, v16  }
0xaa: {  	v25 =	vld.idx.msk [tilespmem:v25+s14+$0x0], $0xffff;
	v23 =	vmul.f32 v14, v31;
	v55 =	vand.u32 $0x180, v22;
	v27 =	vor.u32 s4, v33  }
0xab: {  	v58 =	vmul.f32 v9, v38;
	v61 =	vmul.f32 v54, v32;
	[tilespmem:v12+s19+$0x0] =	vst.idx.msk $0xffff, v53;
	v12 =	vand.u32 $0x7F, v0  }
0xac: {  	[tilespmem:v18+s19+$0x0] =	vst.idx.msk $0xffff, v23;
	v17 =	vadd.s32 v17, v55;
	v18 =	vor.u32 v12, v24;
	v12 =	vand.u32 $0x7F, v22  }
0xad: {  	v19 =	vmul.f32 v19, v8;
	v17 =	vor.u32 v12, v17;
	v23 =	vld.idx.msk [tilespmem:v29+s14+$0x0], $0xffff;
	v12 =	vand.u32 $0x180, v15  }
0xae: {  	[tilespmem:v45+s19+$0x0] =	vst.idx.msk $0xffff, v58;
	v24 =	vor.u32 s26, v33;
	v15 =	vand.u32 $0x7F, v15;
	v29 =	vadd.s32 v13, v12;
	v22 =	vld.idx.msk [tilespmem:v16+s14+$0x0], $0xffff  }
0xaf: {  	v13 =	vadd.s32 v7, v28;
	[tilespmem:v27+s19+$0x0] =	vst.idx.msk $0xffff, v19;
	v12 =	vld.idx.msk [tilespmem:v21+s14+$0x0], $0xffff;
	v19 =	vmul.f32 v25, v26  }
0xb0: {  	[tilespmem:v59+s19+$0x0] =	vst.idx.msk $0xffff, v61;
	v21 =	vor.u32 s2, v37;
	v25 =	vor.u32 s1, v33;
	v16 =	vor.u32 v15, v29;
	v15 =	vld.idx.msk [tilespmem:v52+s14+$0x0], $0xffff  }
0xb1: {  	s9 =	simm.s32 $0x8;
	s6 =	sshll.u32 s22, $0x1;
	v26 =	vor.u32 s2, v33;
	v27 =	vor.u32 s0, v37;
	[tilespmem:v60+s19+$0x0] =	vst.idx.msk $0xffff, v19;
	v19 =	vor.u32 s0, v33;
	v18 =	vld.idx.msk [tilespmem:v18+s14+$0x0], $0xffff  }
.LBB2_7:
0xb2: {  	s0 =	sadd.s32 $0x2, s9  }
0xb3: {  	s12 =	sadd.s32 $0x7, s9;
	v34 =	vmov s0  }
0xb4: {  	v38 =	vmov s12;
	v12 =	vmul.f32 v12, v9  }
0xb5: {  	s21 =	smov.u32 s9  }
0xb6: {  	v28 =	vor.u32 s1, v37;
	s7 =	sadd.s32 $0x4, s21;
	[tilespmem:v26+s19+$0x0] =	vst.idx.msk $0xffff, v12  }
0xb7: {  	s20 =	sadd.s32 $0x1, s9;
	v31 =	vor.u32 s4, v37;
	s2 =	sadd.s32 $0x5, s9;
	v35 =	vmov s7;
	v23 =	vmul.f32 v23, v11;
	v42 =	vld.idx.msk [tilespmem:v16+s14+$0x0], $0xffff  }
0xb8: {  	s4 =	sadd.s32 $0x6, s9;
	v32 =	vmov s20;
	v39 =	vmov s2;
	v22 =	vmul.f32 v22, v14;
	v45 =	vld.idx.msk [tilespmem:v34+s18+$0x0], $0xffff  }
0xb9: {  	v4 =	vlaneseq.u32;
	v36 =	vmov s4;
	v0 =	vor.u32 s21, v57;
	[tilespmem:v24+s19+$0x0] =	vst.idx.msk $0xffff, v23;
	v47 =	vld.idx.msk [tilespmem:v38+s18+$0x0], $0xffff  }
0xba: {  	s1 =	sadd.s32 $0x3, s9;
	v53 =	vor.u32 s20, v33;
	v54 =	vor.u32 s0, v57;
	[tilespmem:v25+s19+$0x0] =	vst.idx.msk $0xffff, v22;
	v22 =	vmul.f32 v15, v10;
	v40 =	vld.idx.msk [tilespmem:v13+s14+$0x0], $0xffff  }
0xbb: {  	v44 =	vor.u32 s12, v57;
	v46 =	vmov s1;
	v29 =	vor.u32 s7, v57;
	v26 =	vld.idx.msk [tilespmem:v17+s14+$0x0], $0xffff  }
0xbc: {  	v8 =	vmul.f32 v18, v8;
	v12 =	vor.u32 s4, v63;
	v25 =	vor.u32 s26, v37;
	v48 =	vld.idx.msk [tilespmem:v35+s18+$0x0], $0xffff;
	[tilespmem:v19+s19+$0x0] =	vst.idx.msk $0xffff, v22  }
0xbd: {  	v41 =	vor.u32 s7, v63;
	v16 =	vshll.u32 v34, $0x7;
	v24 =	vor.u32 s12, v33;
	v18 =	vld.idx.msk [tilespmem:v20+s14+$0x0], $0xffff  }
0xbe: {  	[tilespmem:v31+s19+$0x0] =	vst.idx.msk $0xffff, v8;
	v8 =	vshll.u32 v35, $0x7;
	v31 =	vshll.u32 v36, $0x7;
	v9 =	vmul.f32 v42, v9  }
0xbf: {  	v34 =	vshll.u32 v38, $0x7;
	v19 =	vor.u32 s2, v57;
	v11 =	vmul.f32 v40, v11  }
0xc0: {  	v22 =	vor.u32 s1, v57;
	v20 =	vor.u32 s20, v57;
	v14 =	vmul.f32 v26, v14;
	[tilespmem:v21+s19+$0x0] =	vst.idx.msk $0xffff, v9  }
0xc1: {  	v49 =	vld.idx.msk [tilespmem:v36+s18+$0x0], $0xffff;
	v21 =	vand.u32 $0xFF, v45;
	v55 =	vand.u32 $0xFF, v48;
	[tilespmem:v25+s19+$0x0] =	vst.idx.msk $0xffff, v11;
	v11 =	vand.u32 $0xFF, v47  }
0xc2: {  	v9 =	vadd.s32 v56, v21;
	v10 =	vmul.f32 v18, v10;
	v57 =	vadd.s32 v4, v11  }
0xc3: {  	v36 =	vadd.s32 v8, v55;
	[tilespmem:v28+s19+$0x0] =	vst.idx.msk $0xffff, v14;
	v28 =	vand.u32 $0x7F, v9;
	v8 =	vand.u32 $0x180, v57  }
0xc4: {  	s26 =	smov.u32 s21;
	v43 =	vld.idx.msk [tilespmem:v39+s18+$0x0], $0xffff;
	[tilespmem:v27+s19+$0x0] =	vst.idx.msk $0xffff, v10;
	v27 =	vand.u32 $0x180, v9;
	v9 =	vand.u32 $0x7F, v57;
	v8 =	vadd.s32 v34, v8  }
0xc5: {  	v35 =	vshll.u32 v32, $0x7;
	v30 =	vmov s26;
	v8 =	vor.u32 v9, v8  }
0xc6: {  	v58 =	vshrl.u32 v47, $0x8;
	v40 =	vand.u32 $0xFF, v49;
	v45 =	vshrl.u32 v45, $0x8  }
0xc7: {  	v1 =	vshrl.u32 v49, $0x8;
	v60 =	vadd.s32 v4, v40;
	v42 =	vadd.s32 v56, v40  }
0xc8: {  	[tilespmem:$0x1FF80] =	vst v54;
	v54 =	vcvt.s32.f32 v45;
	v55 =	vor.u32 s12, v63;
	v25 =	vshll.u32 v46, $0x7;
	v47 =	vld.idx.msk [tilespmem:v32+s18+$0x0], $0xffff  }
0xc9: {  	v2 =	vand.u32 $0x180, v60;
	v38 =	vand.u32 $0x7F, v60;
	v14 =	vld.idx.msk [tilespmem:v46+s18+$0x0], $0xffff;
	v59 =	vadd.s32 v62, v11  }
0xca: {  	v52 =	vadd.s32 v56, v11;
	v46 =	vcvt.s32.f32 v1;
	v49 =	vadd.s32 v31, v2;
	v8 =	vld.idx.msk [tilespmem:v8+s14+$0x0], $0xffff  }
0xcb: {  	[tilespmem:$0x1FF70] =	vst v0;
	v61 =	vand.u32 $0x180, v59;
	v0 =	vand.u32 $0x7F, v59;
	v9 =	vcvt.s32.f32 v58  }
0xcc: {  	v49 =	vor.u32 v38, v49;
	v3 =	vand.u32 $0x180, v52;
	v52 =	vand.u32 $0x7F, v52  }
0xcd: {  	v51 =	vadd.s32 v34, v61;
	v45 =	vand.u32 $0xFF, v47;
	v38 =	vmul.f32 $1.111111160e+00, v9  }
0xce: {  	v56 =	vadd.s32 v34, v3;
	v51 =	vor.u32 v0, v51;
	v59 =	vadd.s32 v4, v45  }
0xcf: {  	v60 =	vand.u32 $0x180, v59;
	v59 =	vand.u32 $0x7F, v59;
	v61 =	vmul.f32 v38, v8  }
0xd0: {  	v60 =	vadd.s32 v35, v60;
	v8 =	vmul.f32 $1.111111160e+00, v46;
	v46 =	vor.u32 v52, v56;
	v52 =	vld.idx.msk [tilespmem:v30+s18+$0x0], $0xffff  }
0xd1: {  	v23 =	vor.u32 s0, v63;
	v15 =	vor.u32 s2, v63;
	[tilespmem:v55+s19+$0x0] =	vst.idx.msk $0xffff, v61;
	v55 =	vor.u32 v59, v60;
	v59 =	vld [tilespmem:$0x1FFA0]  }
0xd2: {  	[tilespmem:$0x1FF60] =	vst v53;
	v17 =	vor.u32 s7, v33;
	v13 =	vor.u32 s26, v63;
	v53 =	vadd.s32 v62, v40;
	v61 =	vld [tilespmem:$0x1FFC0]  }
0xd3: {  	v18 =	vor.u32 s4, v33;
	v50 =	vadd.s32 v4, v36;
	v33 =	vand.u32 $0x180, v53  }
0xd4: {  	v1 =	vand.u32 $0xFF, v43;
	v9 =	vmul.f32 $1.111111160e+00, v54;
	v54 =	vadd.s32 v31, v33;
	v33 =	vld [tilespmem:$0x1FFA0]  }
0xd5: {  	v10 =	vshrl.u32 v43, $0x8;
	v58 =	vshll.u32 v30, $0x7;
	v51 =	vld.idx.msk [tilespmem:v51+s14+$0x0], $0xffff;
	v43 =	vand.u32 $0xFF, v52  }
0xd6: {  	v2 =	vld [tilespmem:$0x1FFA0];
	v32 =	vand.u32 $0xFF, v14;
	v30 =	vshrl.u32 v47, $0x8;
	v43 =	vadd.s32 v58, v43  }
0xd7: {  	v60 =	vadd.s32 v59, v45;
	v57 =	vadd.s32 v61, v45;
	v61 =	vshll.u32 v39, $0x7  }
0xd8: {  	v37 =	vld [tilespmem:$0x1FF90];
	v39 =	vcvt.s32.f32 v30;
	v30 =	vadd.s32 v4, v21;
	v3 =	vand.u32 $0x180, v60  }
0xd9: {  	v56 =	vand.u32 $0x7F, v60;
	v60 =	vand.u32 $0x180, v57;
	v59 =	vadd.s32 v35, v3  }
0xda: {  	v49 =	vld.idx.msk [tilespmem:v49+s14+$0x0], $0xffff;
	v51 =	vmul.f32 v38, v51;
	v47 =	vor.u32 v56, v59;
	v56 =	vadd.s32 v33, v36  }
0xdb: {  	v55 =	vld.idx.msk [tilespmem:v55+s14+$0x0], $0xffff;
	v59 =	vadd.s32 v35, v60;
	v60 =	vadd.s32 v4, v32;
	v33 =	vadd.s32 v2, v1  }
0xdc: {  	v26 =	vor.u32 s1, v63;
	v2 =	vadd.s32 v4, v1;
	[tilespmem:v44+s19+$0x0] =	vst.idx.msk $0xffff, v51;
	v51 =	vadd.s32 v4, v43;
	v4 =	vld [tilespmem:$0x1FFA0]  }
0xdd: {  	v48 =	vshrl.u32 v48, $0x8;
	v63 =	vor.u32 s20, v37;
	v10 =	vcvt.s32.f32 v10  }
0xde: {  	v48 =	vcvt.s32.f32 v48;
	v53 =	vand.u32 $0x7F, v53;
	v39 =	vmul.f32 $1.111111160e+00, v39  }
0xdf: {  	v62 =	vand.u32 $0x180, v42;
	v50 =	vld.idx.msk [tilespmem:v50+s14+$0x0], $0xffff;
	v10 =	vmul.f32 $1.111111160e+00, v10;
	v49 =	vmul.f32 v8, v49  }
0xe0: {  	v37 =	vshrl.u32 v52, $0x8;
	v52 =	vand.u32 $0x180, v2;
	v55 =	vmul.f32 v39, v55  }
0xe1: {  	v2 =	vand.u32 $0x7F, v2;
	v52 =	vadd.s32 v61, v52;
	v44 =	vadd.s32 v4, v21  }
0xe2: {  	[tilespmem:v63+s19+$0x0] =	vst.idx.msk $0xffff, v55;
	v58 =	vand.u32 $0x180, v44;
	v55 =	vand.u32 $0x7F, v44;
	v44 =	vmul.f32 $1.111111160e+00, v48  }
0xe3: {  	v37 =	vcvt.s32.f32 v37;
	v2 =	vor.u32 v2, v52;
	v58 =	vadd.s32 v16, v58  }
0xe4: {  	v5 =	vand.u32 $0x180, v30;
	v48 =	vor.u32 v55, v58;
	v58 =	vld [tilespmem:$0x1FFA0];
	v50 =	vmul.f32 v44, v50  }
0xe5: {  	v30 =	vand.u32 $0x7F, v30;
	v5 =	vadd.s32 v16, v5;
	v0 =	vand.u32 $0x180, v60;
	v47 =	vld.idx.msk [tilespmem:v47+s14+$0x0], $0xffff  }
0xe6: {  	v60 =	vand.u32 $0x7F, v60;
	v0 =	vadd.s32 v25, v0;
	[tilespmem:v41+s19+$0x0] =	vst.idx.msk $0xffff, v50;
	v41 =	vor.u32 v53, v54;
	v54 =	vld [tilespmem:$0x1FFC0]  }
0xe7: {  	v5 =	vor.u32 v30, v5;
	v0 =	vor.u32 v60, v0;
	v60 =	vand.u32 $0x7F, v57;
	v57 =	vld [tilespmem:$0x1FFB0]  }
0xe8: {  	v3 =	vadd.s32 v7, v1;
	v6 =	vand.u32 $0x180, v33;
	v33 =	vand.u32 $0x7F, v33;
	v2 =	vld.idx.msk [tilespmem:v2+s14+$0x0], $0xffff  }
0xe9: {  	v6 =	vadd.s32 v61, v6;
	v55 =	vor.u32 v60, v59;
	v60 =	vld [tilespmem:$0x1FFC0];
	v52 =	vadd.s32 v58, v32  }
0xea: {  	v6 =	vor.u32 v33, v6;
	v4 =	vand.u32 $0x180, v3;
	v51 =	vld.idx.msk [tilespmem:v51+s14+$0x0], $0xffff;
	v53 =	vand.u32 $0x180, v52  }
0xeb: {  	v47 =	vmul.f32 v39, v47;
	v33 =	vadd.s32 v25, v53;
	v1 =	vadd.s32 v54, v1;
	v53 =	vld.idx.msk [tilespmem:v56+s14+$0x0], $0xffff  }
0xec: {  	v5 =	vld.idx.msk [tilespmem:v5+s14+$0x0], $0xffff;
	v4 =	vadd.s32 v61, v4;
	v50 =	vadd.s32 v7, v11;
	v11 =	vand.u32 $0x180, v1  }
0xed: {  	v3 =	vand.u32 $0x7F, v3;
	v0 =	vld.idx.msk [tilespmem:v0+s14+$0x0], $0xffff;
	[tilespmem:v20+s19+$0x0] =	vst.idx.msk $0xffff, v47;
	v54 =	vadd.s32 v61, v11;
	v11 =	vmul.f32 $1.111111160e+00, v37  }
0xee: {  	v20 =	vor.u32 v3, v4;
	v4 =	vld [tilespmem:$0x1FFE0];
	v3 =	vadd.s32 v60, v36;
	v2 =	vmul.f32 v10, v2  }
0xef: {  	v14 =	vshrl.u32 v14, $0x8;
	[tilespmem:v12+s19+$0x0] =	vst.idx.msk $0xffff, v49;
	v56 =	vadd.s32 v31, v62;
	v62 =	vld [tilespmem:$0x1FFA0];
	v59 =	vmul.f32 v11, v51  }
0xf0: {  	v14 =	vcvt.s32.f32 v14;
	v47 =	vld [tilespmem:$0x1FFC0];
	[tilespmem:v15+s19+$0x0] =	vst.idx.msk $0xffff, v2;
	v49 =	vmul.f32 v44, v53  }
0xf1: {  	v12 =	vadd.s32 v7, v45;
	v6 =	vld.idx.msk [tilespmem:v6+s14+$0x0], $0xffff;
	[tilespmem:v13+s19+$0x0] =	vst.idx.msk $0xffff, v59  }
0xf2: {  	v14 =	vmul.f32 $1.111111160e+00, v14;
	v61 =	vand.u32 $0x180, v12;
	v13 =	vld.idx.msk [tilespmem:v46+s14+$0x0], $0xffff;
	v46 =	vand.u32 $0x7F, v52;
	[tilespmem:v29+s19+$0x0] =	vst.idx.msk $0xffff, v49  }
0xf3: {  	v45 =	vand.u32 $0x7F, v42;
	v30 =	vadd.s32 v35, v61;
	v33 =	vor.u32 v46, v33;
	v3 =	vld.idx.msk [tilespmem:v3+s14+$0x0], $0xffff  }
0xf4: {  	v35 =	vadd.s32 v7, v40;
	v40 =	vor.u32 v45, v56;
	v56 =	vld [tilespmem:$0x1FFC0];
	v58 =	vadd.s32 v62, v43  }
0xf5: {  	v0 =	vmul.f32 v14, v0;
	v60 =	vand.u32 $0x180, v50;
	v53 =	vld.idx.msk [tilespmem:v41+s14+$0x0], $0xffff  }
0xf6: {  	v5 =	vmul.f32 v9, v5;
	v34 =	vadd.s32 v34, v60;
	v15 =	vand.u32 $0x7F, v50;
	v51 =	vld.idx.msk [tilespmem:v55+s14+$0x0], $0xffff  }
0xf7: {  	[tilespmem:v26+s19+$0x0] =	vst.idx.msk $0xffff, v0;
	v15 =	vor.u32 v15, v34;
	v55 =	vld [tilespmem:$0x1FF70];
	v29 =	vor.u32 s4, v57  }
0xf8: {  	[tilespmem:v23+s19+$0x0] =	vst.idx.msk $0xffff, v5;
	v36 =	vadd.s32 v7, v36;
	v5 =	vld.idx.msk [tilespmem:v33+s14+$0x0], $0xffff;
	v3 =	vmul.f32 v3, v44  }
0xf9: {  	v26 =	vadd.s32 v16, v27;
	v1 =	vand.u32 $0x7F, v1;
	v37 =	vld.idx.msk [tilespmem:v58+s14+$0x0], $0xffff;
	v13 =	vmul.f32 v13, v38  }
0xfa: {  	v12 =	vand.u32 $0x7F, v12;
	v1 =	vor.u32 v1, v54;
	v2 =	vmul.f32 v8, v53;
	[tilespmem:v17+s19+$0x0] =	vst.idx.msk $0xffff, v3;
	v17 =	vld [tilespmem:$0x1FF60]  }
0xfb: {  	v4 =	vor.u32 s12, v4;
	v61 =	vand.u32 $0x180, v35;
	v12 =	vor.u32 v12, v30;
	[tilespmem:v24+s19+$0x0] =	vst.idx.msk $0xffff, v13;
	v24 =	vld.idx.msk [tilespmem:v48+s14+$0x0], $0xffff  }
0xfc: {  	v41 =	vadd.s32 v47, v32;
	v6 =	vmul.f32 v10, v6;
	[tilespmem:v29+s19+$0x0] =	vst.idx.msk $0xffff, v2;
	v52 =	vld.idx.msk [tilespmem:v15+s14+$0x0], $0xffff  }
0xfd: {  	v31 =	vadd.s32 v31, v61;
	v50 =	vand.u32 $0x180, v41;
	v15 =	vld.idx.msk [tilespmem:v40+s14+$0x0], $0xffff;
	v5 =	vmul.f32 v14, v5  }
0xfe: {  	v27 =	vand.u32 $0x7F, v41;
	v49 =	vadd.s32 v56, v43;
	[tilespmem:v19+s19+$0x0] =	vst.idx.msk $0xffff, v6;
	v23 =	vmul.f32 v11, v37;
	v37 =	vld [tilespmem:$0x1FFE0]  }
0xff: {  	v6 =	vor.u32 v28, v26;
	v26 =	vand.u32 $0x7F, v35;
	v53 =	vadd.s32 v25, v50;
	[tilespmem:v22+s19+$0x0] =	vst.idx.msk $0xffff, v5;
	v5 =	vld [tilespmem:$0x1FF80]  }
0x100: {  	v54 =	vor.u32 v26, v31;
	v0 =	vor.u32 v27, v53;
	v13 =	vmul.f32 v51, v39;
	v26 =	vld.idx.msk [tilespmem:v36+s14+$0x0], $0xffff  }
0x101: {  	v33 =	vld [tilespmem:$0x1FFD0]  }
0x102: {  	v2 =	vmul.f32 v52, v38;
	[tilespmem:v17+s19+$0x0] =	vst.idx.msk $0xffff, v13  }
0x103: {  	v19 =	vadd.s32 v7, v32;
	[tilespmem:v55+s19+$0x0] =	vst.idx.msk $0xffff, v23;
	v58 =	vmul.f32 v9, v24;
	v27 =	vld.idx.msk [tilespmem:v12+s14+$0x0], $0xffff  }
0x104: {  	v28 =	vand.u32 $0x180, v19;
	v23 =	vld.idx.msk [tilespmem:v49+s14+$0x0], $0xffff;
	v15 =	vmul.f32 v15, v8;
	[tilespmem:v4+s19+$0x0] =	vst.idx.msk $0xffff, v2;
	v4 =	vor.u32 s7, v37  }
0x105: {  	p1 =	slt.u32 s9, $0x78;
	v22 =	vld.idx.msk [tilespmem:v0+s14+$0x0], $0xffff;
	v61 =	vmul.f32 v26, v44;
	v12 =	vand.u32 $0x7F, v19;
	v19 =	vor.u32 s20, v37  }
.Ltmp2:
0x106: {  	v24 =	vor.u32 s26, v33;
	[tilespmem:v18+s19+$0x0] =	vst.idx.msk $0xffff, v15;
	v15 =	vld.idx.msk [tilespmem:v1+s14+$0x0], $0xffff;
	v26 =	vor.u32 s0, v33;
	v13 =	vadd.s32 v25, v28;
	(pc) =	sbr.rel @p1 .LBB2_7-.Ltmp2, $4  }
0x107: {  	v25 =	vor.u32 s1, v33;
	v17 =	vor.u32 v12, v13;
	v12 =	vadd.s32 v7, v21;
	[tilespmem:v5+s19+$0x0] =	vst.idx.msk $0xffff, v58  }
0x108: {  	v59 =	vand.u32 $0x180, v12;
	v5 =	vand.u32 $0x7F, v12;
	v12 =	vld.idx.msk [tilespmem:v6+s14+$0x0], $0xffff;
	v6 =	vmul.f32 v27, v39  }
0x109: {  	v63 =	vld [tilespmem:$0x1FF90];
	v13 =	vadd.s32 v7, v43;
	v21 =	vor.u32 s0, v37;
	[tilespmem:v4+s19+$0x0] =	vst.idx.msk $0xffff, v61;
	v60 =	vadd.s32 v16, v59  }
0x10a: {  	s9 =	sadd.s32 $0x8, s9;
	v18 =	vld.idx.msk [tilespmem:v54+s14+$0x0], $0xffff;
	v16 =	vor.u32 v5, v60;
	v27 =	vor.u32 s2, v37;
	[tilespmem:v19+s19+$0x0] =	vst.idx.msk $0xffff, v6;
	v19 =	vor.u32 s2, v33  }
0x10b: {  	_ =	sdelay $0x1  }
0x10c: {  	v0 =	vmul.f32 v23, v11  }
0x10d: {  	v1 =	vmul.f32 v22, v14  }
0x10e: {  	v55 =	vmul.f32 v15, v10;
	[tilespmem:v24+s19+$0x0] =	vst.idx.msk $0xffff, v0  }
0x10f: {  	v54 =	vmul.f32 v12, v9;
	[tilespmem:v25+s19+$0x0] =	vst.idx.msk $0xffff, v1;
	v2 =	vld.idx.msk [tilespmem:v13+s14+$0x0], $0xffff  }
0x110: {  	v3 =	vor.u32 s4, v37;
	[tilespmem:v19+s19+$0x0] =	vst.idx.msk $0xffff, v55;
	v58 =	vld.idx.msk [tilespmem:v17+s14+$0x0], $0xffff  }
0x111: {  	v4 =	vor.u32 s26, v37;
	v6 =	vld.idx.msk [tilespmem:v20+s14+$0x0], $0xffff;
	[tilespmem:v26+s19+$0x0] =	vst.idx.msk $0xffff, v54  }
0x112: {  	v59 =	vor.u32 s1, v37;
	v5 =	vld.idx.msk [tilespmem:v16+s14+$0x0], $0xffff  }
0x113: {  	v8 =	vmul.f32 v18, v8  }
0x114: {  	v2 =	vmul.f32 v2, v11  }
0x115: {  	[tilespmem:v3+s19+$0x0] =	vst.idx.msk $0xffff, v8;
	v0 =	vmul.f32 v58, v14  }
0x116: {  	s0 =	sshll.u32 s22, $0x10;
	v61 =	vmul.f32 v6, v10;
	[tilespmem:v4+s19+$0x0] =	vst.idx.msk $0xffff, v2  }
0x117: {  	s0 =	sand.u32 $0x7E0000, s0;
	v60 =	vmul.f32 v5, v9;
	[tilespmem:v59+s19+$0x0] =	vst.idx.msk $0xffff, v0  }
0x118: {  	s0 =	sor.u32 s0, s25;
	[tilespmem:v27+s19+$0x0] =	vst.idx.msk $0xffff, v61  }
0x119: {  	s0 =	sadd.s32 s0, s8;
	[tilespmem:v21+s19+$0x0] =	vst.idx.msk $0xffff, v60  }
0x11a: {  	[hbm4b:s0+s3] =	stream.linear.scatter [tilespmem:s19], [sflag:$0x3], $0x400, $0x38;
	[tilespmem:$0x17C80] =	vst v63  }
0x11b: {  	s2 =	simm.s32 $0x10380;
	s21 =	sadd.s32 $0x4000, s0  }
0x11c: {  	[hbm4b:s21+s3] =	stream.linear.scatter [tilespmem:s2], [sflag:$0x3], $0x400, $0x38;
	[tilespmem:$0x17C80] =	vst v63  }
0x11d: {  	s26 =	simm.s32 $0x10B80;
	s25 =	sadd.s32 $0x8000, s0  }
0x11e: {  	[hbm4b:s25+s3] =	stream.linear.scatter [tilespmem:s26], [sflag:$0x3], $0x400, $0x38;
	[tilespmem:$0x17C80] =	vst v63  }
0x11f: {  	s4 =	simm.s32 $0x11380;
	s2 =	sadd.s32 $0xC000, s0  }
0x120: {  	[hbm4b:s2+s3] =	stream.linear.scatter [tilespmem:s4], [sflag:$0x3], $0x400, $0x38;
	[tilespmem:$0x17C80] =	vst v63  }
0x121: {  	s9 =	simm.s32 $0x11B80;
	s7 =	sadd.s32 $0x10000, s0  }
0x122: {  	[hbm4b:s7+s3] =	stream.linear.scatter [tilespmem:s9], [sflag:$0x3], $0x400, $0x38;
	[tilespmem:$0x17C80] =	vst v63  }
0x123: {  	s20 =	simm.s32 $0x12380;
	p1 =	sne.s32 s22, $0x63;
	s12 =	sadd.s32 $0x14000, s0  }
0x124: {  	[hbm4b:s12+s3] =	stream.linear.scatter [tilespmem:s20], [sflag:$0x3], $0x400, $0x38;
	[tilespmem:$0x17C80] =	vst v63  }
.Ltmp3:
0x125: {  	_ = 	snop;
	(pc) =	sbr.rel @p1 .LBB2_10-.Ltmp3, $4  }
0x126: {  	s21 =	sadd.s32 $0x18000, s0;
	s25 =	simm.s32 $0x12B80  }
0x127: {  	[hbm4b:s21+s3] =	stream.linear.scatter [tilespmem:s25], [sflag:$0x3], $0x400, $0x38;
	[tilespmem:$0x17C80] =	vst v63  }
0x128: {  	s0 =	sadd.s32 $0x1C000, s0;
	s26 =	simm.s32 $0x13380  }
0x129: {  	[hbm4b:s0+s3] =	stream.linear.scatter [tilespmem:s26], [sflag:$0x3], $0x400, $0x38;
	[tilespmem:$0x17C80] =	vst v63  }
.Ltmp4:
0x12a: {  	(pc) =	sbr.rel .LBB2_13-.Ltmp4, $4  }
0x12b: {  	_ = 	snop  }
0x12c: {  	_ =	swait.ge [sflag:s28], $0x4000  }
0x12d: {  	[sflag:s28] =	ssyncset.done $0x0  }
0x12e: {  	[sflag:s28] =	ssyncadd.s32 $0xFFFFC000  }
.LBB2_10:
0x12f: {  	s0 =	sadd.s32 $0x2, s6  }
0x130: {  	s1 =	sshll.u32 s0, $0x7  }
0x131: {  	s4 =	rddreg [dreg:$0x5];
	s2 =	sshll.u32 s0, $0x9;
	s1 =	sand.u32 $0x100, s1  }
0x132: {  	s0 =	sshll.u32 s0, $0x2;
	s2 =	sand.u32 $0x3C000, s2;
	s1 =	sadd.s32 s1, s4  }
0x133: {  	s0 =	sand.u32 $0x70, s0;
	s1 =	sadd.s32 s2, s1  }
0x134: {  	s26 =	simm.s32 $0x7A80;
	s1 =	sadd.s32 s0, s1;
	s0 =	simm.s32 $0x0  }
0x135: {  	[tilespmem:s26], [sflag:$0x5] =	stream.linear.gather [hbm4b:s1+s0], $0x80, $0x38;
	[tilespmem:$0x17C80] =	vst v63  }
0x136: {  	_ =	swait.ge [sflag:s11], $0x80  }
0x137: {  	[sflag:s11] =	ssyncset.done $0x0  }
0x138: {  	p1 =	por $0x1, $0x1;
	s1 =	simm.s32 $0x7A80;
	[sflag:s11] =	ssyncadd.s32 $0xFFFFFF80  }
.LBB2_11:
0x139: {  	v0 =	vld [tilespmem:s0+$0x7A80]  }
0x13a: {  	v1 =	vld [tilespmem:s0+$0x7A90]  }
0x13b: {  	v3 =	vld [tilespmem:s0+$0x7AA0];
	_ =	sdelay $0x1  }
0x13c: {  	v5 =	vld [tilespmem:s0+$0x7AB0]  }
0x13d: {  	v2 =	vshrl.u32 v0, $0x5  }
0x13e: {  	v4 =	vshrl.u32 v1, $0x5  }
0x13f: {  	v6 =	vshrl.u32 v3, $0x5;
	_ =	sdelay $0x1  }
0x140: {  	v8 =	vshrl.u32 v5, $0x5  }
0x141: {  	v2 =	vld.idx.msk [tilespmem:v2+s3+$0x0], $0xffff  }
0x142: {  	v4 =	vld.idx.msk [tilespmem:v4+s3+$0x0], $0xffff  }
0x143: {  	v9 =	vand.u32 $0x1F, v0;
	v6 =	vld.idx.msk [tilespmem:v6+s3+$0x0], $0xffff  }
0x144: {  	v10 =	vshll.u32 v0, $0x6;
	v11 =	vand.u32 $0x1F, v1;
	v52 =	vshll.u32 v1, $0x6  }
0x145: {  	v53 =	vand.u32 $0x1F, v3;
	v0 =	vshrl.u32 v0, $0x1;
	v1 =	vshrl.u32 v1, $0x1;
	v8 =	vld.idx.msk [tilespmem:v8+s3+$0x0], $0xffff  }
0x146: {  	v59 =	vshll.u32 v5, $0x6;
	v60 =	vshrl.u32 v3, $0x1;
	v61 =	vshrl.u32 v5, $0x1  }
0x147: {  	v51 =	vand.u32 $0x40, v10;
	v10 =	vand.u32 $0x40, v52;
	v2 =	vshrl.u32 v2, v9  }
0x148: {  	[tilespmem:s0+$0x7A80] =	vst v0;
	v4 =	vshrl.u32 v4, v11;
	v54 =	vshrl.u32 v6, v53;
	v2 =	vshll.u32 v2, $0x8  }
0x149: {  	[tilespmem:s0+$0x7A90] =	vst v1;
	v6 =	vand.u32 $0x1F, v5;
	v4 =	vshll.u32 v4, $0x8;
	v2 =	vand.u32 $0x100, v2  }
0x14a: {  	p2 =	por p1, p1;
	[tilespmem:s0+$0x7AA0] =	vst v60;
	v55 =	vshrl.u32 v8, v6;
	v4 =	vand.u32 $0x100, v4;
	v2 =	vor.u32 v51, v2  }
.Ltmp5:
0x14b: {  	v6 =	vshll.u32 v3, $0x6;
	v4 =	vor.u32 v10, v4;
	[tilespmem:s0+$0x17B80] =	vst v2;
	v2 =	vshll.u32 v54, $0x8;
	(pc) =	sbr.rel @p2 .LBB2_11-.Ltmp5, $4  }
0x14c: {  	v0 =	vshll.u32 v55, $0x8;
	[tilespmem:s0+$0x17B90] =	vst v4;
	v4 =	vand.u32 $0x40, v6;
	v2 =	vand.u32 $0x100, v2  }
0x14d: {  	[tilespmem:s0+$0x7AB0] =	vst v61;
	v0 =	vand.u32 $0x100, v0;
	v58 =	vor.u32 v4, v2;
	v2 =	vand.u32 $0x40, v59  }
0x14e: {  	[tilespmem:s0+$0x17BA0] =	vst v58;
	v0 =	vor.u32 v2, v0  }
0x14f: {  	p1 =	por $0x0, $0x0;
	[tilespmem:s0+$0x17BB0] =	vst v0;
	s0 =	simm.s32 $0x40  }
.Ltmp6:
0x150: {  	(pc) =	sbr.rel @p0 .LBB2_14-.Ltmp6, $4  }
0x151: {  	[tilespmem:s14], [sflag:$0x1] =	stream.indirect.gather [hbm4b:s5+s13], $0x80, s1, s13, $0xb8;
	[tilespmem:$0x17C80] =	vst v63  }
0x152: {  	_ =	swait.ge [sflag:s28], $0x4000  }
0x153: {  	[sflag:s28] =	ssyncset.done $0x0  }
0x154: {  	[sflag:s28] =	ssyncadd.s32 $0xFFFFC000  }
.LBB2_13:
0x155: {  	_ =	swait.ge [sflag:s29], $0x2000  }
0x156: {  	[sflag:s29] =	ssyncset.done $0x0  }
0x157: {  	[sflag:s29] =	ssyncadd.s32 $0xFFFFE000  }
.LBB2_14:
0x158: {  	s0 =	simm.s32 $0x5  }
0x159: {  	s9 =	simm.s32 $0x7;
	v2 =	vmov s0  }
0x15a: {  	s2 =	simm.s32 $0x2;
	v0 =	vmov s9  }
0x15b: {  	s7 =	simm.s32 $0x4;
	v3 =	vmov s2  }
0x15c: {  	s4 =	simm.s32 $0x6;
	v4 =	vmov s7  }
0x15d: {  	s6 =	simm.s32 $0x1;
	v6 =	vmov s4  }
0x15e: {  	v58 =	vlaneseq.u32;
	v5 =	vmov s6;
	v26 =	vld.idx.msk [tilespmem:v2+s30+$0x0], $0xffff  }
0x15f: {  	v16 =	vor.u32 s6, v33;
	v18 =	vor.u32 s7, v33;
	v19 =	vor.u32 s0, v57;
	v8 =	vld.idx.msk [tilespmem:v0+s30+$0x0], $0xffff  }
0x160: {  	s25 =	simm.s32 $0x0;
	v11 =	vor.u32 s9, v57;
	v9 =	vor.u32 s9, v33;
	v21 =	vor.u32 s2, v63;
	v10 =	vld.idx.msk [tilespmem:v3+s30+$0x0], $0xffff  }
0x161: {  	s1 =	simm.s32 $0x3;
	v14 =	vor.u32 s7, v57;
	v29 =	vor.u32 s0, v63;
	v20 =	vor.u32 s25, v63;
	v28 =	vld.idx.msk [tilespmem:v4+s30+$0x0], $0xffff  }
0x162: {  	v22 =	vmov s1;
	v36 =	vor.u32 s6, v57;
	v1 =	vor.u32 s4, v63;
	v48 =	vld.idx.msk [tilespmem:v6+s30+$0x0], $0xffff  }
0x163: {  	v30 =	vor.u32 s7, v63;
	v41 =	vor.u32 s9, v63;
	v25 =	vshll.u32 v5, $0x7;
	v5 =	vld.idx.msk [tilespmem:v5+s30+$0x0], $0xffff  }
0x164: {  	v42 =	vmov s25;
	v13 =	vshll.u32 v3, $0x7;
	v47 =	vshll.u32 v4, $0x7  }
0x165: {  	v24 =	vshll.u32 v6, $0x7;
	v31 =	vshll.u32 v0, $0x7;
	v17 =	vshll.u32 v22, $0x7  }
0x166: {  	v44 =	vshll.u32 v42, $0x7;
	v2 =	vshll.u32 v2, $0x7;
	v34 =	vand.u32 $0xFF, v8  }
0x167: {  	v35 =	vld.idx.msk [tilespmem:v22+s30+$0x0], $0xffff;
	v15 =	vand.u32 $0xFF, v10;
	v50 =	vshrl.u32 v26, $0x8;
	v22 =	vand.u32 $0xFF, v28  }
0x168: {  	v8 =	vshrl.u32 v8, $0x8;
	v4 =	vshrl.u32 v48, $0x8;
	v40 =	vand.u32 $0xFF, v5  }
0x169: {  	v5 =	vshrl.u32 v5, $0x8;
	v49 =	vadd.s32 v58, v34;
	v23 =	vadd.s32 v47, v22  }
0x16a: {  	v6 =	vcvt.s32.f32 v50;
	v22 =	vadd.s32 v62, v34;
	v8 =	vcvt.s32.f32 v8  }
0x16b: {  	v38 =	vadd.s32 v56, v34;
	v4 =	vcvt.s32.f32 v4;
	v45 =	vadd.s32 v58, v40  }
0x16c: {  	v55 =	vadd.s32 v62, v40;
	v5 =	vcvt.s32.f32 v5;
	v34 =	vadd.s32 v7, v34  }
0x16d: {  	v27 =	vand.u32 $0x180, v49;
	v0 =	vand.u32 $0x7F, v49;
	v32 =	vadd.s32 v58, v23  }
0x16e: {  	v52 =	vand.u32 $0x180, v22;
	v37 =	vand.u32 $0x7F, v22;
	v22 =	vand.u32 $0xFF, v35  }
0x16f: {  	v46 =	vand.u32 $0x180, v45;
	v45 =	vand.u32 $0x7F, v45;
	v60 =	vand.u32 $0x180, v55  }
0x170: {  	v35 =	vshrl.u32 v35, $0x8;
	v51 =	vadd.s32 v31, v27;
	v33 =	vadd.s32 v31, v52  }
0x171: {  	v46 =	vadd.s32 v25, v46;
	v59 =	vmul.f32 $1.111111160e+00, v4;
	v50 =	vadd.s32 v58, v22  }
0x172: {  	v52 =	vshrl.u32 v28, $0x8;
	v35 =	vcvt.s32.f32 v35;
	v3 =	vor.u32 v0, v51  }
0x173: {  	v0 =	vand.u32 $0xFF, v48;
	v33 =	vor.u32 v37, v33;
	v48 =	vor.u32 s6, v63  }
0x174: {  	v54 =	vor.u32 v45, v46;
	v46 =	vadd.s32 v56, v40;
	v45 =	vand.u32 $0x7F, v55  }
0x175: {  	v42 =	vld.idx.msk [tilespmem:v42+s30+$0x0], $0xffff;
	v51 =	vand.u32 $0x180, v50;
	v52 =	vcvt.s32.f32 v52;
	v40 =	vadd.s32 v7, v40  }
0x176: {  	v27 =	vadd.s32 v58, v0;
	v39 =	vadd.s32 v62, v0;
	v49 =	vand.u32 $0x180, v46  }
0x177: {  	v46 =	vand.u32 $0x7F, v46;
	v53 =	vand.u32 $0x180, v27;
	v27 =	vand.u32 $0x7F, v27  }
0x178: {  	v43 =	vand.u32 $0x180, v39;
	v49 =	vadd.s32 v25, v49;
	v39 =	vand.u32 $0x7F, v39  }
0x179: {  	v37 =	vadd.s32 v24, v53;
	v43 =	vadd.s32 v24, v43;
	v53 =	vand.u32 $0xFF, v26;
	v3 =	vld.idx.msk [tilespmem:v3+s16+$0x0], $0xffff  }
0x17a: {  	v26 =	vand.u32 $0xFF, v42;
	v46 =	vor.u32 v46, v49;
	v37 =	vor.u32 v27, v37  }
0x17b: {  	v27 =	vmul.f32 $1.111111160e+00, v8;
	v8 =	vand.u32 $0x180, v38;
	v38 =	vand.u32 $0x7F, v38  }
0x17c: {  	v28 =	vadd.s32 v44, v26;
	v26 =	vmul.f32 $1.111111160e+00, v5;
	v47 =	vadd.s32 v31, v8;
	v4 =	vld.idx.msk [tilespmem:v54+s16+$0x0], $0xffff  }
0x17d: {  	v54 =	vshrl.u32 v42, $0x8;
	v42 =	vadd.s32 v58, v28;
	v38 =	vor.u32 v38, v47  }
0x17e: {  	v47 =	vadd.s32 v25, v60;
	v60 =	vadd.s32 v62, v15;
	v3 =	vmul.f32 v27, v3  }
0x17f: {  	v44 =	vcvt.s32.f32 v54;
	v54 =	vand.u32 $0x7F, v50;
	v45 =	vor.u32 v45, v47  }
0x180: {  	v50 =	vadd.s32 v7, v53;
	v37 =	vld.idx.msk [tilespmem:v37+s16+$0x0], $0xffff;
	[tilespmem:v41+s31+$0x0] =	vst.idx.msk $0xffff, v3;
	v41 =	vadd.s32 v58, v53  }
0x181: {  	v47 =	vadd.s32 v62, v23;
	v4 =	vmul.f32 v26, v4;
	v61 =	vand.u32 $0x180, v41  }
0x182: {  	v3 =	vadd.s32 v58, v15;
	v33 =	vld.idx.msk [tilespmem:v33+s16+$0x0], $0xffff;
	v41 =	vand.u32 $0x7F, v41;
	v55 =	vadd.s32 v2, v61  }
0x183: {  	[tilespmem:v48+s31+$0x0] =	vst.idx.msk $0xffff, v4;
	v58 =	vadd.s32 v17, v51;
	v5 =	vor.u32 v41, v55;
	v55 =	vld.idx.msk [tilespmem:v32+s16+$0x0], $0xffff  }
0x184: {  	v45 =	vld.idx.msk [tilespmem:v45+s16+$0x0], $0xffff;
	v48 =	vor.u32 v54, v58;
	v58 =	vor.u32 v39, v43;
	v61 =	vand.u32 $0x180, v60  }
0x185: {  	v60 =	vand.u32 $0x7F, v60;
	v37 =	vmul.f32 v59, v37;
	v41 =	vadd.s32 v62, v53  }
0x186: {  	v61 =	vadd.s32 v13, v61;
	v32 =	vmul.f32 $1.111111160e+00, v52;
	v52 =	vadd.s32 v56, v53  }
0x187: {  	v53 =	vadd.s32 v56, v0;
	v0 =	vadd.s32 v7, v0;
	v33 =	vmul.f32 v27, v33  }
0x188: {  	v42 =	vld.idx.msk [tilespmem:v42+s16+$0x0], $0xffff;
	v4 =	vor.u32 v60, v61;
	[tilespmem:v1+s31+$0x0] =	vst.idx.msk $0xffff, v37;
	v61 =	vmul.f32 v32, v55  }
0x189: {  	v51 =	vshrl.u32 v10, $0x8;
	v60 =	vand.u32 $0x180, v41;
	[tilespmem:v11+s31+$0x0] =	vst.idx.msk $0xffff, v33;
	v11 =	vmul.f32 v26, v45;
	v5 =	vld.idx.msk [tilespmem:v5+s16+$0x0], $0xffff  }
0x18a: {  	v10 =	vmul.f32 $1.111111160e+00, v6;
	v49 =	vadd.s32 v2, v60;
	v45 =	vand.u32 $0x180, v3;
	v33 =	vld.idx.msk [tilespmem:v58+s16+$0x0], $0xffff;
	[tilespmem:v30+s31+$0x0] =	vst.idx.msk $0xffff, v61  }
0x18b: {  	v41 =	vand.u32 $0x7F, v41;
	v3 =	vand.u32 $0x7F, v3;
	v38 =	vld.idx.msk [tilespmem:v38+s16+$0x0], $0xffff;
	[tilespmem:v36+s31+$0x0] =	vst.idx.msk $0xffff, v11;
	v36 =	vadd.s32 v13, v45  }
0x18c: {  	v60 =	vand.u32 $0x180, v52;
	v11 =	vmul.f32 $1.111111160e+00, v44;
	v47 =	vld.idx.msk [tilespmem:v47+s16+$0x0], $0xffff;
	v3 =	vor.u32 v3, v36  }
0x18d: {  	v1 =	vcvt.s32.f32 v51;
	v39 =	vadd.s32 v2, v60;
	v30 =	vor.u32 v41, v49  }
0x18e: {  	v55 =	vadd.s32 v56, v23;
	v61 =	vand.u32 $0x180, v50;
	v42 =	vmul.f32 v11, v42  }
0x18f: {  	v54 =	vld.idx.msk [tilespmem:v48+s16+$0x0], $0xffff;
	v2 =	vadd.s32 v2, v61;
	v61 =	vadd.s32 v62, v22;
	v5 =	vmul.f32 v10, v5  }
0x190: {  	v58 =	vand.u32 $0x180, v34;
	v33 =	vmul.f32 v59, v33;
	[tilespmem:v20+s31+$0x0] =	vst.idx.msk $0xffff, v42;
	v38 =	vmul.f32 v38, v27  }
0x191: {  	v49 =	vor.u32 s1, v63;
	[tilespmem:v29+s31+$0x0] =	vst.idx.msk $0xffff, v5;
	v29 =	vor.u32 s4, v57;
	v41 =	vmul.f32 v32, v47;
	v3 =	vld.idx.msk [tilespmem:v3+s16+$0x0], $0xffff  }
0x192: {  	v20 =	vand.u32 $0x7F, v50;
	v5 =	vadd.s32 v31, v58;
	[tilespmem:v9+s31+$0x0] =	vst.idx.msk $0xffff, v38;
	v9 =	vand.u32 $0x7F, v34;
	v30 =	vld.idx.msk [tilespmem:v30+s16+$0x0], $0xffff  }
0x193: {  	v5 =	vor.u32 v9, v5;
	v9 =	vand.u32 $0x180, v40;
	[tilespmem:v14+s31+$0x0] =	vst.idx.msk $0xffff, v41;
	v14 =	vmul.f32 $1.111111160e+00, v35  }
0x194: {  	v42 =	vand.u32 $0x180, v61;
	v25 =	vadd.s32 v25, v9;
	v9 =	vmul.f32 $1.111111160e+00, v1  }
0x195: {  	v20 =	vor.u32 v20, v2;
	v43 =	vadd.s32 v17, v42;
	v37 =	vmul.f32 v14, v54  }
0x196: {  	v31 =	vand.u32 $0x7F, v61;
	v2 =	vld.idx.msk [tilespmem:v55+s16+$0x0], $0xffff;
	[tilespmem:v29+s31+$0x0] =	vst.idx.msk $0xffff, v33;
	v3 =	vmul.f32 v9, v3  }
0x197: {  	v12 =	vor.u32 s25, v57;
	v1 =	vor.u32 v31, v43;
	v30 =	vmul.f32 v10, v30;
	[tilespmem:v49+s31+$0x0] =	vst.idx.msk $0xffff, v37  }
0x198: {  	v6 =	vand.u32 $0x7F, v53;
	v60 =	vand.u32 $0x180, v53;
	v44 =	vadd.s32 v62, v28;
	v45 =	vld.idx.msk [tilespmem:v46+s16+$0x0], $0xffff;
	[tilespmem:v21+s31+$0x0] =	vst.idx.msk $0xffff, v3  }
0x199: {  	v48 =	vadd.s32 v56, v15;
	v29 =	vadd.s32 v24, v60;
	v5 =	vld.idx.msk [tilespmem:v5+s16+$0x0], $0xffff;
	[tilespmem:v19+s31+$0x0] =	vst.idx.msk $0xffff, v30  }
0x19a: {  	v23 =	vadd.s32 v7, v23;
	v46 =	vand.u32 $0x180, v0;
	v6 =	vor.u32 v6, v29;
	v37 =	vld [tilespmem:$0x1FFE0]  }
0x19b: {  	v0 =	vand.u32 $0x7F, v0;
	v50 =	vand.u32 $0x7F, v52;
	v2 =	vmul.f32 v2, v32  }
0x19c: {  	v47 =	vor.u32 s2, v57;
	v24 =	vadd.s32 v24, v46;
	v21 =	vand.u32 $0x7F, v40;
	v1 =	vld.idx.msk [tilespmem:v1+s16+$0x0], $0xffff  }
0x19d: {  	v29 =	vmul.f32 v45, v26;
	[tilespmem:v18+s31+$0x0] =	vst.idx.msk $0xffff, v2;
	v18 =	vor.u32 v21, v25;
	v25 =	vld.idx.msk [tilespmem:v44+s16+$0x0], $0xffff  }
0x19e: {  	v0 =	vor.u32 v0, v24;
	v49 =	vor.u32 s1, v57;
	v4 =	vld.idx.msk [tilespmem:v4+s16+$0x0], $0xffff;
	v21 =	vand.u32 $0x180, v48  }
0x19f: {  	v6 =	vld.idx.msk [tilespmem:v6+s16+$0x0], $0xffff;
	v5 =	vmul.f32 v5, v27;
	v27 =	vadd.s32 v56, v22;
	v19 =	vor.u32 s9, v37  }
0x1a0: {  	v3 =	vand.u32 $0x7F, v48;
	v33 =	vld [tilespmem:$0x1FFD0];
	[tilespmem:v16+s31+$0x0] =	vst.idx.msk $0xffff, v29;
	v29 =	vor.u32 v50, v39;
	v21 =	vadd.s32 v13, v21  }
0x1a1: {  	v22 =	vadd.s32 v7, v22;
	v16 =	vand.u32 $0x180, v27;
	v3 =	vor.u32 v3, v21  }
0x1a2: {  	v1 =	vmul.f32 v14, v1;
	v52 =	vand.u32 $0x7F, v22;
	v21 =	vmul.f32 v11, v25;
	v25 =	vld.idx.msk [tilespmem:v23+s16+$0x0], $0xffff  }
0x1a3: {  	v51 =	vadd.s32 v17, v16;
	v16 =	vand.u32 $0x7F, v27;
	v4 =	vmul.f32 v9, v4  }
0x1a4: {  	v53 =	vor.u32 s7, v37;
	v27 =	vor.u32 s6, v37;
	v18 =	vld.idx.msk [tilespmem:v18+s16+$0x0], $0xffff;
	[tilespmem:v19+s31+$0x0] =	vst.idx.msk $0xffff, v5;
	v19 =	vadd.s32 v56, v28  }
0x1a5: {  	[tilespmem:v47+s31+$0x0] =	vst.idx.msk $0xffff, v4;
	v6 =	vmul.f32 v6, v59;
	v5 =	vor.u32 v16, v51;
	v16 =	vor.u32 s4, v33  }
0x1a6: {  	v24 =	vor.u32 s25, v33;
	[tilespmem:v12+s31+$0x0] =	vst.idx.msk $0xffff, v21;
	v12 =	vand.u32 $0x180, v22;
	v21 =	vor.u32 s2, v37  }
0x1a7: {  	v54 =	vadd.s32 v17, v12;
	v12 =	vadd.s32 v7, v15;
	v15 =	vld.idx.msk [tilespmem:v29+s16+$0x0], $0xffff;
	v58 =	vmul.f32 v25, v32  }
0x1a8: {  	[tilespmem:v49+s31+$0x0] =	vst.idx.msk $0xffff, v1;
	v17 =	vor.u32 v52, v54;
	v55 =	vand.u32 $0x180, v12;
	v60 =	vand.u32 $0x7F, v12;
	v12 =	vld.idx.msk [tilespmem:v3+s16+$0x0], $0xffff  }
0x1a9: {  	v1 =	vadd.s32 v13, v55;
	v61 =	vmul.f32 v18, v26;
	[tilespmem:v53+s31+$0x0] =	vst.idx.msk $0xffff, v58;
	v23 =	vld.idx.msk [tilespmem:v19+s16+$0x0], $0xffff  }
0x1aa: {  	v13 =	vadd.s32 v7, v28;
	v25 =	vor.u32 s1, v33;
	v26 =	vor.u32 s2, v33;
	v22 =	vld.idx.msk [tilespmem:v5+s16+$0x0], $0xffff;
	[tilespmem:v16+s31+$0x0] =	vst.idx.msk $0xffff, v6  }
0x1ab: {  	s22 =	sadd.s32 $0x1, s22;
	s6 =	simm.s32 $0x8;
	[tilespmem:v27+s31+$0x0] =	vst.idx.msk $0xffff, v61;
	v27 =	vor.u32 s0, v37;
	v16 =	vor.u32 v60, v1;
	v19 =	vor.u32 s0, v33;
	v18 =	vld.idx.msk [tilespmem:v0+s16+$0x0], $0xffff  }
.LBB2_15:
0x1ac: {  	s12 =	sadd.s32 $0x7, s6  }
0x1ad: {  	s9 =	sadd.s32 $0x1, s6;
	v28 =	vmov s12  }
0x1ae: {  	s0 =	sadd.s32 $0x2, s6;
	v4 =	vmov s9;
	v0 =	vmul.f32 v23, v11  }
0x1af: {  	v2 =	vor.u32 s1, v37;
	v3 =	vor.u32 s4, v37;
	s20 =	smov.u32 s6;
	s2 =	sadd.s32 $0x5, s6;
	s4 =	sadd.s32 $0x6, s6;
	v5 =	vmov s0  }
0x1b0: {  	v50 =	vld [tilespmem:$0x1FFD0];
	v39 =	vmov s2;
	v6 =	vmov s4;
	v7 =	vor.u32 s20, v57;
	[tilespmem:v24+s31+$0x0] =	vst.idx.msk $0xffff, v0  }
0x1b1: {  	s1 =	sadd.s32 $0x3, s6;
	v58 =	vor.u32 s9, v33;
	v60 =	vor.u32 s0, v57;
	v1 =	vmul.f32 v22, v14;
	v31 =	vld.idx.msk [tilespmem:v13+s16+$0x0], $0xffff  }
0x1b2: {  	s7 =	sadd.s32 $0x4, s20;
	v44 =	vor.u32 s12, v57;
	v36 =	vmov s1;
	[tilespmem:$0x1FF40] =	vst v7;
	v54 =	vmul.f32 v12, v9;
	v47 =	vld.idx.msk [tilespmem:v28+s30+$0x0], $0xffff  }
0x1b3: {  	v29 =	vor.u32 s7, v57;
	v35 =	vshll.u32 v4, $0x7;
	v55 =	vmul.f32 v15, v10;
	[tilespmem:v25+s31+$0x0] =	vst.idx.msk $0xffff, v1;
	v4 =	vld.idx.msk [tilespmem:v4+s30+$0x0], $0xffff  }
0x1b4: {  	v34 =	vshll.u32 v28, $0x7;
	v7 =	vlaneseq.u32;
	v22 =	vmov s7;
	[tilespmem:v26+s31+$0x0] =	vst.idx.msk $0xffff, v54;
	v26 =	vld.idx.msk [tilespmem:v17+s16+$0x0], $0xffff  }
0x1b5: {  	v8 =	vmul.f32 v18, v59;
	v23 =	vor.u32 s0, v63;
	v15 =	vor.u32 s2, v63;
	[tilespmem:v19+s31+$0x0] =	vst.idx.msk $0xffff, v55;
	v32 =	vld.idx.msk [tilespmem:v16+s16+$0x0], $0xffff  }
0x1b6: {  	v30 =	vor.u32 s4, v63;
	v41 =	vor.u32 s7, v63;
	v24 =	vor.u32 s12, v33;
	v18 =	vld.idx.msk [tilespmem:v20+s16+$0x0], $0xffff  }
0x1b7: {  	v48 =	vshll.u32 v22, $0x7;
	v25 =	vor.u32 s25, v37;
	s25 =	smov.u32 s20;
	v19 =	vor.u32 s2, v57;
	[tilespmem:v3+s31+$0x0] =	vst.idx.msk $0xffff, v8;
	v43 =	vld.idx.msk [tilespmem:v39+s30+$0x0], $0xffff  }
0x1b8: {  	v17 =	vor.u32 s7, v33;
	v13 =	vor.u32 s25, v63;
	v20 =	vor.u32 s9, v57;
	v38 =	vld.idx.msk [tilespmem:v6+s30+$0x0], $0xffff  }
0x1b9: {  	v16 =	vshll.u32 v5, $0x7;
	v3 =	vld.idx.msk [tilespmem:v22+s30+$0x0], $0xffff;
	v22 =	vor.u32 s1, v57;
	v11 =	vmul.f32 v31, v11  }
0x1ba: {  	v31 =	vshll.u32 v6, $0x7;
	v54 =	vshrl.u32 v47, $0x8;
	v45 =	vand.u32 $0xFF, v4  }
0x1bb: {  	v4 =	vshrl.u32 v4, $0x8;
	v8 =	vmul.f32 v26, v14;
	v26 =	vor.u32 s1, v63  }
0x1bc: {  	v61 =	vld.idx.msk [tilespmem:v5+s30+$0x0], $0xffff;
	v9 =	vmul.f32 v32, v9;
	v49 =	vmul.f32 v18, v10;
	v18 =	vor.u32 s4, v50  }
0x1bd: {  	v52 =	vshrl.u32 v43, $0x8;
	v40 =	vand.u32 $0xFF, v38;
	v6 =	vcvt.s32.f32 v54  }
0x1be: {  	v57 =	vshrl.u32 v38, $0x8;
	v50 =	vmov s25;
	v4 =	vcvt.s32.f32 v4  }
0x1bf: {  	[tilespmem:v25+s31+$0x0] =	vst.idx.msk $0xffff, v11;
	v25 =	vshll.u32 v36, $0x7;
	v11 =	vand.u32 $0xFF, v47;
	v12 =	vcvt.s32.f32 v52  }
0x1c0: {  	v47 =	vadd.s32 v62, v40;
	v42 =	vadd.s32 v56, v40;
	v33 =	vcvt.s32.f32 v57  }
0x1c1: {  	v52 =	vshll.u32 v50, $0x7;
	[tilespmem:v21+s31+$0x0] =	vst.idx.msk $0xffff, v9;
	v21 =	vand.u32 $0xFF, v61;
	v9 =	vadd.s32 v7, v11  }
0x1c2: {  	[tilespmem:v2+s31+$0x0] =	vst.idx.msk $0xffff, v8;
	v8 =	vand.u32 $0xFF, v3;
	v46 =	vadd.s32 v56, v11;
	v53 =	vand.u32 $0x180, v9  }
0x1c3: {  	v14 =	vld.idx.msk [tilespmem:v36+s30+$0x0], $0xffff;
	v36 =	vadd.s32 v48, v8;
	v8 =	vand.u32 $0x7F, v9;
	v2 =	vadd.s32 v34, v53  }
0x1c4: {  	v3 =	vshrl.u32 v3, $0x8;
	v51 =	vadd.s32 v56, v21;
	v2 =	vor.u32 v8, v2  }
0x1c5: {  	v9 =	vadd.s32 v7, v40;
	v48 =	vor.u32 s12, v63;
	v59 =	vand.u32 $0x180, v46  }
0x1c6: {  	v46 =	vand.u32 $0x7F, v46;
	v56 =	vor.u32 s9, v63;
	v8 =	vadd.s32 v62, v11  }
0x1c7: {  	[tilespmem:v27+s31+$0x0] =	vst.idx.msk $0xffff, v49;
	v3 =	vcvt.s32.f32 v3;
	v27 =	vand.u32 $0x180, v51;
	v55 =	vand.u32 $0x180, v8  }
0x1c8: {  	v28 =	vand.u32 $0x7F, v51;
	v8 =	vand.u32 $0x7F, v8;
	v37 =	vadd.s32 v34, v55  }
0x1c9: {  	[tilespmem:$0x1FF30] =	vst v58;
	v58 =	vand.u32 $0x180, v9;
	v37 =	vor.u32 v8, v37;
	v8 =	vshrl.u32 v61, $0x8;
	v2 =	vld.idx.msk [tilespmem:v2+s16+$0x0], $0xffff  }
0x1ca: {  	v9 =	vand.u32 $0x7F, v9;
	v38 =	vadd.s32 v31, v58;
	v8 =	vcvt.s32.f32 v8  }
0x1cb: {  	v5 =	vadd.s32 v7, v36;
	v51 =	vand.u32 $0x180, v47;
	v49 =	vor.u32 v9, v38  }
0x1cc: {  	v38 =	vmul.f32 $1.111111160e+00, v6;
	v10 =	vmul.f32 $1.111111160e+00, v8;
	v8 =	vadd.s32 v7, v45  }
0x1cd: {  	v47 =	vand.u32 $0x7F, v47;
	v51 =	vadd.s32 v31, v51;
	v53 =	vand.u32 $0x180, v8  }
0x1ce: {  	v54 =	vand.u32 $0x7F, v8;
	v53 =	vadd.s32 v35, v53;
	v2 =	vmul.f32 v38, v2  }
0x1cf: {  	[tilespmem:$0x1FF50] =	vst v60;
	v6 =	vadd.s32 v34, v59;
	v9 =	vmul.f32 $1.111111160e+00, v33;
	v60 =	vor.u32 v54, v53  }
0x1d0: {  	v59 =	vand.u32 $0xFF, v43;
	v55 =	vand.u32 $0x180, v42;
	v46 =	vor.u32 v46, v6;
	[tilespmem:v48+s31+$0x0] =	vst.idx.msk $0xffff, v2;
	v2 =	vld.idx.msk [tilespmem:v50+s30+$0x0], $0xffff  }
0x1d1: {  	v42 =	vand.u32 $0x7F, v42;
	v32 =	vand.u32 $0xFF, v14;
	v61 =	vadd.s32 v62, v45  }
0x1d2: {  	v63 =	vld [tilespmem:$0x1FFC0];
	v14 =	vshrl.u32 v14, $0x8;
	v55 =	vadd.s32 v31, v55;
	v0 =	vand.u32 $0x180, v61  }
0x1d3: {  	v33 =	vand.u32 $0x7F, v61;
	v57 =	vadd.s32 v7, v32;
	v61 =	vadd.s32 v62, v59;
	v37 =	vld.idx.msk [tilespmem:v37+s16+$0x0], $0xffff  }
0x1d4: {  	v58 =	vand.u32 $0x180, v57;
	v54 =	vshll.u32 v39, $0x7;
	v50 =	vadd.s32 v35, v0;
	v6 =	vld.idx.msk [tilespmem:v60+s16+$0x0], $0xffff  }
0x1d5: {  	v33 =	vor.u32 v33, v50;
	v43 =	vshrl.u32 v2, $0x8;
	v2 =	vand.u32 $0xFF, v2  }
0x1d6: {  	v50 =	vadd.s32 v62, v36;
	v62 =	vcvt.s32.f32 v43;
	v43 =	vadd.s32 v52, v2;
	v52 =	vld [tilespmem:$0x1FFA0]  }
0x1d7: {  	v5 =	vld.idx.msk [tilespmem:v5+s16+$0x0], $0xffff;
	v39 =	vmul.f32 $1.111111160e+00, v4;
	v48 =	vadd.s32 v63, v45;
	v63 =	vadd.s32 v7, v59  }
0x1d8: {  	v49 =	vld.idx.msk [tilespmem:v49+s16+$0x0], $0xffff;
	v1 =	vand.u32 $0x180, v48;
	v0 =	vand.u32 $0x180, v63;
	v37 =	vmul.f32 v38, v37  }
0x1d9: {  	v8 =	vld [tilespmem:$0x1FFF0];
	v53 =	vadd.s32 v35, v1;
	v60 =	vadd.s32 v7, v21;
	v6 =	vmul.f32 v39, v6  }
0x1da: {  	v48 =	vand.u32 $0x7F, v48;
	v0 =	vadd.s32 v54, v0;
	v2 =	vadd.s32 v7, v43;
	[tilespmem:v44+s31+$0x0] =	vst.idx.msk $0xffff, v37  }
0x1db: {  	v48 =	vor.u32 v48, v53;
	v37 =	vand.u32 $0x7F, v63;
	[tilespmem:v56+s31+$0x0] =	vst.idx.msk $0xffff, v6;
	v4 =	vadd.s32 v52, v21  }
0x1dc: {  	v53 =	vand.u32 $0x7F, v60;
	v0 =	vor.u32 v37, v0;
	v33 =	vld.idx.msk [tilespmem:v33+s16+$0x0], $0xffff;
	v44 =	vand.u32 $0x180, v4  }
0x1dd: {  	v63 =	vand.u32 $0x180, v60;
	v60 =	vld [tilespmem:$0x1FFC0];
	v37 =	vadd.s32 v16, v44;
	v44 =	vmul.f32 $1.111111160e+00, v3  }
0x1de: {  	v1 =	vadd.s32 v8, v59;
	v7 =	vand.u32 $0x180, v61;
	v6 =	vand.u32 $0x7F, v57;
	v57 =	vld [tilespmem:$0x1FFB0]  }
0x1df: {  	v56 =	vadd.s32 v25, v58;
	v4 =	vand.u32 $0x7F, v4;
	v2 =	vld.idx.msk [tilespmem:v2+s16+$0x0], $0xffff;
	v5 =	vmul.f32 v44, v5  }
0x1e0: {  	v61 =	vand.u32 $0x7F, v61;
	v3 =	vor.u32 v4, v37;
	v4 =	vor.u32 v6, v56;
	v56 =	vld [tilespmem:$0x1FFA0]  }
0x1e1: {  	v7 =	vadd.s32 v54, v7;
	v0 =	vld.idx.msk [tilespmem:v0+s16+$0x0], $0xffff;
	v33 =	vmul.f32 v39, v33;
	[tilespmem:v41+s31+$0x0] =	vst.idx.msk $0xffff, v5  }
0x1e2: {  	v52 =	vand.u32 $0x180, v1;
	v41 =	vadd.s32 v60, v59;
	v59 =	vmovc v9;
	v9 =	vmovc v10;
	v10 =	vmul.f32 $1.111111160e+00, v12;
	v12 =	vld.idx.msk [tilespmem:v46+s16+$0x0], $0xffff  }
0x1e3: {  	v6 =	vor.u32 v61, v7;
	[tilespmem:v20+s31+$0x0] =	vst.idx.msk $0xffff, v33;
	v20 =	vadd.s32 v16, v63;
	v50 =	vld.idx.msk [tilespmem:v50+s16+$0x0], $0xffff  }
0x1e4: {  	v61 =	vadd.s32 v54, v52;
	v5 =	vor.u32 v47, v51;
	v52 =	vor.u32 v53, v20;
	v53 =	vld [tilespmem:$0x1FFC0]  }
0x1e5: {  	v47 =	vadd.s32 v8, v11;
	v11 =	vand.u32 $0x180, v41;
	v49 =	vmul.f32 v59, v49;
	v4 =	vld.idx.msk [tilespmem:v4+s16+$0x0], $0xffff  }
0x1e6: {  	v51 =	vadd.s32 v54, v11;
	v11 =	vmul.f32 $1.111111160e+00, v62;
	v62 =	vld [tilespmem:$0x1FFA0];
	v0 =	vmul.f32 v10, v0  }
0x1e7: {  	v14 =	vcvt.s32.f32 v14;
	v42 =	vor.u32 v42, v55;
	v1 =	vand.u32 $0x7F, v1;
	v54 =	vld [tilespmem:$0x1FFE0];
	[tilespmem:v30+s31+$0x0] =	vst.idx.msk $0xffff, v49  }
0x1e8: {  	v33 =	vadd.s32 v8, v40;
	v20 =	vor.u32 v1, v61;
	v49 =	vand.u32 $0x180, v47;
	[tilespmem:v15+s31+$0x0] =	vst.idx.msk $0xffff, v0;
	v15 =	vld [tilespmem:$0x1FF30]  }
0x1e9: {  	v61 =	vand.u32 $0x7F, v47;
	v37 =	vadd.s32 v56, v32;
	v34 =	vadd.s32 v34, v49;
	v0 =	vld.idx.msk [tilespmem:v5+s16+$0x0], $0xffff  }
0x1ea: {  	v58 =	vand.u32 $0x180, v37;
	v2 =	vmul.f32 v11, v2;
	v6 =	vld.idx.msk [tilespmem:v6+s16+$0x0], $0xffff;
	v5 =	vor.u32 v61, v34  }
0x1eb: {  	v48 =	vld.idx.msk [tilespmem:v48+s16+$0x0], $0xffff;
	v7 =	vadd.s32 v25, v58;
	v12 =	vmul.f32 v12, v38;
	v1 =	vadd.s32 v53, v36  }
0x1ec: {  	v55 =	vld [tilespmem:$0x1FF50];
	v14 =	vmul.f32 $1.111111160e+00, v14;
	[tilespmem:v13+s31+$0x0] =	vst.idx.msk $0xffff, v2;
	v60 =	vmul.f32 v44, v50;
	v56 =	vadd.s32 v62, v43  }
0x1ed: {  	v41 =	vand.u32 $0x7F, v41;
	v2 =	vadd.s32 v8, v45;
	v50 =	vld.idx.msk [tilespmem:v52+s16+$0x0], $0xffff;
	v30 =	vor.u32 s12, v54;
	[tilespmem:v24+s31+$0x0] =	vst.idx.msk $0xffff, v12  }
0x1ee: {  	v4 =	vmul.f32 v14, v4;
	v54 =	vand.u32 $0x7F, v37;
	v37 =	vld [tilespmem:$0x1FFE0];
	[tilespmem:v29+s31+$0x0] =	vst.idx.msk $0xffff, v60;
	v29 =	vor.u32 s4, v57  }
0x1ef: {  	v36 =	vadd.s32 v8, v36;
	v7 =	vor.u32 v54, v7;
	v6 =	vmul.f32 v10, v6;
	v46 =	vld.idx.msk [tilespmem:v5+s16+$0x0], $0xffff  }
0x1f0: {  	v52 =	vand.u32 $0x180, v33;
	v47 =	vmul.f32 v48, v39;
	v58 =	vand.u32 $0x180, v2;
	[tilespmem:v26+s31+$0x0] =	vst.idx.msk $0xffff, v4;
	v1 =	vld.idx.msk [tilespmem:v1+s16+$0x0], $0xffff  }
0x1f1: {  	v31 =	vadd.s32 v31, v52;
	v0 =	vmul.f32 v59, v0;
	v53 =	vld.idx.msk [tilespmem:v56+s16+$0x0], $0xffff;
	[tilespmem:v19+s31+$0x0] =	vst.idx.msk $0xffff, v6  }
0x1f2: {  	v2 =	vand.u32 $0x7F, v2;
	v13 =	vadd.s32 v35, v58;
	v12 =	vmul.f32 v9, v50;
	v56 =	vld [tilespmem:$0x1FFC0];
	[tilespmem:v15+s31+$0x0] =	vst.idx.msk $0xffff, v47  }
0x1f3: {  	v52 =	vld [tilespmem:$0x1FF40];
	v2 =	vor.u32 v2, v13;
	v26 =	vor.u32 v41, v51;
	[tilespmem:v29+s31+$0x0] =	vst.idx.msk $0xffff, v0  }
0x1f4: {  	v19 =	vadd.s32 v8, v32;
	[tilespmem:v23+s31+$0x0] =	vst.idx.msk $0xffff, v12;
	v7 =	vld.idx.msk [tilespmem:v7+s16+$0x0], $0xffff;
	v23 =	vadd.s32 v16, v27  }
0x1f5: {  	v13 =	vld.idx.msk [tilespmem:v42+s16+$0x0], $0xffff;
	v49 =	vor.u32 v28, v23;
	v23 =	vand.u32 $0x7F, v33;
	v0 =	vmul.f32 v46, v38  }
0x1f6: {  	v27 =	vand.u32 $0x180, v19;
	v3 =	vld.idx.msk [tilespmem:v3+s16+$0x0], $0xffff;
	v50 =	vor.u32 v23, v31;
	v1 =	vmul.f32 v1, v44  }
0x1f7: {  	v15 =	vand.u32 $0x7F, v19;
	v33 =	vld [tilespmem:$0x1FFD0];
	v58 =	vadd.s32 v56, v32;
	v60 =	vadd.s32 v56, v43;
	[tilespmem:v30+s31+$0x0] =	vst.idx.msk $0xffff, v0  }
0x1f8: {  	v2 =	vld.idx.msk [tilespmem:v2+s16+$0x0], $0xffff;
	v12 =	vmul.f32 v11, v53;
	v61 =	vand.u32 $0x180, v58;
	v24 =	vand.u32 $0x7F, v58;
	[tilespmem:v17+s31+$0x0] =	vst.idx.msk $0xffff, v1  }
0x1f9: {  	v17 =	vadd.s32 v25, v27;
	v7 =	vmul.f32 v14, v7;
	v27 =	vor.u32 s9, v37;
	v51 =	vld.idx.msk [tilespmem:v36+s16+$0x0], $0xffff  }
0x1fa: {  	v48 =	vadd.s32 v25, v61;
	v19 =	vmul.f32 v13, v59;
	v17 =	vor.u32 v15, v17  }
0x1fb: {  	p0 =	slt.u32 s6, $0x78;
	v63 =	vld [tilespmem:$0x1FF90];
	v54 =	vor.u32 s7, v37;
	[tilespmem:v52+s31+$0x0] =	vst.idx.msk $0xffff, v12;
	v53 =	vmul.f32 v9, v3;
	v4 =	vor.u32 v24, v48  }
.Ltmp7:
0x1fc: {  	v13 =	vadd.s32 v8, v43;
	v12 =	vadd.s32 v8, v21;
	v15 =	vld.idx.msk [tilespmem:v26+s16+$0x0], $0xffff;
	[tilespmem:v22+s31+$0x0] =	vst.idx.msk $0xffff, v7;
	(pc) =	sbr.rel @p0 .LBB2_15-.Ltmp7, $4  }
0x1fd: {  	v2 =	vmul.f32 v2, v39;
	v21 =	vor.u32 s0, v37;
	v25 =	vor.u32 s1, v33;
	[tilespmem:v55+s31+$0x0] =	vst.idx.msk $0xffff, v53;
	v23 =	vld.idx.msk [tilespmem:v60+s16+$0x0], $0xffff  }
0x1fe: {  	v58 =	vand.u32 $0x180, v12;
	[tilespmem:v18+s31+$0x0] =	vst.idx.msk $0xffff, v19;
	v60 =	vand.u32 $0x7F, v12;
	v12 =	vld.idx.msk [tilespmem:v49+s16+$0x0], $0xffff;
	v61 =	vmul.f32 v51, v44  }
0x1ff: {  	v26 =	vor.u32 s0, v33;
	v24 =	vor.u32 s25, v33;
	v0 =	vadd.s32 v16, v58;
	v18 =	vld.idx.msk [tilespmem:v50+s16+$0x0], $0xffff;
	[tilespmem:v27+s31+$0x0] =	vst.idx.msk $0xffff, v2  }
0x200: {  	s6 =	sadd.s32 $0x8, s6;
	v19 =	vor.u32 s2, v33;
	v16 =	vor.u32 v60, v0;
	v27 =	vor.u32 s2, v37;
	v22 =	vld.idx.msk [tilespmem:v4+s16+$0x0], $0xffff;
	[tilespmem:v54+s31+$0x0] =	vst.idx.msk $0xffff, v61  }
0x201: {  	_ =	sdelay $0x2  }
0x202: {  	v0 =	vmul.f32 v23, v11  }
0x203: {  	v1 =	vmul.f32 v22, v14  }
0x204: {  	[tilespmem:v24+s31+$0x0] =	vst.idx.msk $0xffff, v0;
	v0 =	vmul.f32 v12, v9  }
0x205: {  	v2 =	vld.idx.msk [tilespmem:v13+s16+$0x0], $0xffff;
	[tilespmem:v25+s31+$0x0] =	vst.idx.msk $0xffff, v1;
	v1 =	vmul.f32 v15, v10  }
0x206: {  	v3 =	vor.u32 s4, v37;
	[tilespmem:v26+s31+$0x0] =	vst.idx.msk $0xffff, v0;
	v0 =	vld.idx.msk [tilespmem:v17+s16+$0x0], $0xffff  }
0x207: {  	v4 =	vor.u32 s25, v37;
	v5 =	vld.idx.msk [tilespmem:v16+s16+$0x0], $0xffff;
	[tilespmem:v19+s31+$0x0] =	vst.idx.msk $0xffff, v1  }
0x208: {  	v1 =	vor.u32 s1, v37;
	v6 =	vld.idx.msk [tilespmem:v20+s16+$0x0], $0xffff  }
0x209: {  	v7 =	vmul.f32 v18, v59  }
0x20a: {  	v2 =	vmul.f32 v2, v11  }
0x20b: {  	[tilespmem:v3+s31+$0x0] =	vst.idx.msk $0xffff, v7;
	v0 =	vmul.f32 v0, v14  }
0x20c: {  	[tilespmem:v4+s31+$0x0] =	vst.idx.msk $0xffff, v2;
	v2 =	vmul.f32 v5, v9  }
0x20d: {  	s0 =	sshll.u32 s24, $0x11;
	s25 =	rddreg [dreg:$0x2];
	[tilespmem:v1+s31+$0x0] =	vst.idx.msk $0xffff, v0;
	v0 =	vmul.f32 v6, v10  }
0x20e: {  	s0 =	sadd.s32 s25, s0;
	[tilespmem:v21+s31+$0x0] =	vst.idx.msk $0xffff, v2  }
0x20f: {  	s0 =	sadd.s32 s23, s0;
	[tilespmem:v27+s31+$0x0] =	vst.idx.msk $0xffff, v0  }
0x210: {  	[hbm4b:s0+s3] =	stream.linear.scatter [tilespmem:s31], [sflag:$0x4], $0x400, $0x38;
	[tilespmem:$0x17C80] =	vst v63  }
0x211: {  	s2 =	simm.s32 $0x14380;
	s26 =	sadd.s32 $0x4000, s0  }
0x212: {  	[hbm4b:s26+s3] =	stream.linear.scatter [tilespmem:s2], [sflag:$0x4], $0x400, $0x38;
	[tilespmem:$0x17C80] =	vst v63  }
0x213: {  	s6 =	simm.s32 $0x14B80;
	s4 =	sadd.s32 $0x8000, s0  }
0x214: {  	[hbm4b:s4+s3] =	stream.linear.scatter [tilespmem:s6], [sflag:$0x4], $0x400, $0x38;
	[tilespmem:$0x17C80] =	vst v63  }
0x215: {  	s9 =	simm.s32 $0x15380;
	s7 =	sadd.s32 $0xC000, s0  }
0x216: {  	[hbm4b:s7+s3] =	stream.linear.scatter [tilespmem:s9], [sflag:$0x4], $0x400, $0x38;
	[tilespmem:$0x17C80] =	vst v63  }
0x217: {  	s20 =	simm.s32 $0x15B80;
	s12 =	sadd.s32 $0x10000, s0  }
0x218: {  	[hbm4b:s12+s3] =	stream.linear.scatter [tilespmem:s20], [sflag:$0x4], $0x400, $0x38;
	[tilespmem:$0x17C80] =	vst v63  }
0x219: {  	p0 =	sne.s32 s22, $0x64;
	s23 =	simm.s32 $0x16380;
	s21 =	sadd.s32 $0x14000, s0  }
0x21a: {  	[hbm4b:s21+s3] =	stream.linear.scatter [tilespmem:s23], [sflag:$0x4], $0x400, $0x38;
	[tilespmem:$0x17C80] =	vst v63  }
.Ltmp8:
0x21b: {  	_ = 	snop;
	(pc) =	sbr.rel @p0 .LBB2_4-.Ltmp8, $4  }
0x21c: {  	s25 =	simm.s32 $0x16B80;
	s24 =	sadd.s32 $0x18000, s0  }
0x21d: {  	[hbm4b:s24+s3] =	stream.linear.scatter [tilespmem:s25], [sflag:$0x4], $0x400, $0x38;
	[tilespmem:$0x17C80] =	vst v63  }
0x21e: {  	s0 =	sadd.s32 $0x1C000, s0;
	s26 =	simm.s32 $0x17380  }
0x21f: {  	v2 =	vld [tilespmem:$0x1FFF0];
	[hbm4b:s0+s3] =	stream.linear.scatter [tilespmem:s26], [sflag:$0x4], $0x400, $0x38  }
0x220: {  	s0 =	simm.s32 $0x3  }
0x221: {  	_ =	swait.ge [sflag:s0], $0x2000  }
0x222: {  	[sflag:s0] =	ssyncset.done $0x0  }
0x223: {  	[sflag:s0] =	ssyncadd.s32 $0xFFFFE000  }
0x224: {  	_ =	swait.ge [sflag:s29], $0x2000  }
0x225: {  	s2 =	rddreg [dreg:$0x7]  }
0x226: {  	s26 =	rddreg [dreg:$0x6];
	s2 =	sadd.s32 $0x1, s2  }
0x227: {  	p0 =	sne.s32 s2, s26  }
.Ltmp9:
0x228: {  	_ = 	snop;
	(pc) =	sbr.rel @p0 .LBB2_1-.Ltmp9, $3  }
0x229: {  	_ =	sdelay $0x1  }
0x22a: {  	[sflag:s29] =	ssyncset.done $0x0  }
0x22b: {  	s1 =	simm.s32 $0x7A80;
	[sflag:s29] =	ssyncadd.s32 $0xFFFFE000  }
0x22c: {  	_ =	sfence.sel $0x180000  }
0x22d: {  	[bflag:$0x0] =	sbarrier.arrive $0xFFFF  }
0x22e: {  	_ =	strace $0x90000047  }
0x22f: {  	s0 =	stileid.u32;
	[bflag:$0x2] =	sbarrier.arrive $0xFFFF  }
0x230: {  	p0 =	sne.s32 s0, $0x0;
	s0 =	rddreg [dreg:$0x3]  }
0x231: {  	s0 =	sadd.s32 @!p0 $0x100000, s0  }
0x232: {  	[sflag:s0] =	ssyncadd.tile.s32 @!p0 $0x1;
	_ =	shalt  }
.Lfunc_end2:
_tile_overlayer_lowered:
.L_overlay_start_2:
0x233: {  	(tag) =	ssettag $0x2  }
0x234: {  	s0 =	rddreg [dreg:$0x0];
	s2 =	stileid.u32  }
0x235: {  	s1 =	rddreg [dreg:$0x1];
	p0 =	sne.s32 s2, $0x0  }
0x236: {  	s3 =	rddreg [dreg:$0x2];
	[bflag:$0x3] =	sbarrier.arrive $0xFFFF;
	s2 =	simm.s32 @!p0 $0x1C05  }
0x237: {  	[timem:s3], [sflag:s2] =	dma.local @!p0 [hbm:s0], s1  }
0x238: {  	s0 =	simm.s32 @!p0 $0x5  }
0x239: {  	_ =	swait.ge @!p0 [sflag:s0], s1  }
0x23a: {  	s1 =	ssub.s32 @!p0 $0x0, s1;
	[sflag:s0] =	ssyncset.done @!p0 $0x0  }
0x23b: {  	[sflag:s0] =	ssyncadd.s32 @!p0 s1  }
0x23c: {  	[bflag:$0x3] =	sbarrier.arrive $0xFFFF  }
0x23d: {  	_ =	shalt  }

</sc_bundles>
